<compile_context>
chip_gen: v7x
topology: tpu7x:2x2x1
jax: 0.10.2.dev20260603
libtpu: 0.0.44.dev20260713+nightly
codegen_flags: <defaults>
</compile_context>

<pallas_src>
import jax
import jax.numpy as jnp
from jax.experimental import pallas as pl

N = 10000
E = 160000
D_IN = 256
H = 4
D_OUT = 128

BN = 400
BE = 1000


def _proj_body(z_ref, ws_ref, wd_ref, u_ref, v_ref):
    zb = z_ref[...]
    u_ref[...] = jnp.dot(zb, ws_ref[...], preferred_element_type=jnp.float32)
    v_ref[...] = jnp.dot(zb, wd_ref[...], preferred_element_type=jnp.float32)


_proj = pl.pallas_call(
    _proj_body,
    grid=(N // BN,),
    in_specs=[
        pl.BlockSpec((BN, D_IN), lambda i: (i, 0)),
        pl.BlockSpec((D_IN, H * D_OUT), lambda i: (0, 0)),
        pl.BlockSpec((D_IN, H * D_OUT), lambda i: (0, 0)),
    ],
    out_specs=[
        pl.BlockSpec((BN, H * D_OUT), lambda i: (i, 0)),
        pl.BlockSpec((BN, H * D_OUT), lambda i: (i, 0)),
    ],
    out_shape=[
        jax.ShapeDtypeStruct((N, H * D_OUT), jnp.float32),
        jax.ShapeDtypeStruct((N, H * D_OUT), jnp.float32),
    ],
)


def _edge_body(u_ref, v_ref, a_ref, msg_ref, ex_ref):
    u = u_ref[...]
    x = u + v_ref[...]
    t = 0.6 * x + 0.4 * jnp.abs(x)
    t4 = t.reshape(BE, H, D_OUT)
    logits = jnp.sum(t4 * a_ref[...][None, :, :], axis=-1)
    ex = jnp.exp(logits)
    ex_ref[...] = ex
    msg = u.reshape(BE, H, D_OUT) * ex[:, :, None]
    msg_ref[...] = msg.reshape(BE, H * D_OUT)


_edge = pl.pallas_call(
    _edge_body,
    grid=(E // BE,),
    in_specs=[
        pl.BlockSpec((BE, H * D_OUT), lambda i: (i, 0)),
        pl.BlockSpec((BE, H * D_OUT), lambda i: (i, 0)),
        pl.BlockSpec((H, D_OUT), lambda i: (0, 0)),
    ],
    out_specs=[
        pl.BlockSpec((BE, H * D_OUT), lambda i: (i, 0)),
        pl.BlockSpec((BE, H), lambda i: (i, 0)),
    ],
    out_shape=[
        jax.ShapeDtypeStruct((E, H * D_OUT), jnp.float32),
        jax.ShapeDtypeStruct((E, H), jnp.float32),
    ],
)


def _fc_body(r_ref, d_ref, b_ref, w_ref, fb_ref, o_ref):
    acc = jnp.zeros((BN, D_OUT), jnp.float32) + fb_ref[...]
    den = jnp.maximum(d_ref[...], 1e-30)
    for h in range(H):
        feat = (r_ref[...][:, h * D_OUT:(h + 1) * D_OUT] / den[:, h:h + 1]
                + b_ref[...][h][None, :])
        acc = acc + jnp.dot(feat, w_ref[h], preferred_element_type=jnp.float32)
    o_ref[...] = jnp.where(acc > 0, acc, 0.2 * acc)


_fc = pl.pallas_call(
    _fc_body,
    grid=(N // BN,),
    in_specs=[
        pl.BlockSpec((BN, H * D_OUT), lambda i: (i, 0)),
        pl.BlockSpec((BN, H), lambda i: (i, 0)),
        pl.BlockSpec((H, D_OUT), lambda i: (0, 0)),
        pl.BlockSpec((H, D_OUT, D_OUT), lambda i: (0, 0, 0)),
        pl.BlockSpec((1, D_OUT), lambda i: (0, 0)),
    ],
    out_specs=pl.BlockSpec((BN, D_OUT), lambda i: (i, 0)),
    out_shape=jax.ShapeDtypeStruct((N, D_OUT), jnp.float32),
)


def kernel(z, edge_index, W_src, W_dst, attn_a, gat_bias, fc_W, fc_b):
    src = edge_index[0]
    dst = edge_index[1]
    U, V = _proj(z, W_src, W_dst)
    msg, ex = _edge(U[src], V[dst], attn_a)
    den = jax.ops.segment_sum(ex, dst, num_segments=N)
    rstU = jax.ops.segment_sum(msg, dst, num_segments=N)
    out = _fc(rstU, den, gat_bias.reshape(H, D_OUT),
              fc_W.reshape(H, D_OUT, D_OUT), fc_b.reshape(1, D_OUT))
    return out

# --- scband reference (transcript-rebuilt; emitter-appended) ---
"""Pipeline reference for scband-gene-decoder-63513976373345 (READ-ONLY COPY).

The authoritative reference and input builder live on the scoring server;
editing this copy changes nothing except your own understanding.
"""

import jax, jax.numpy as jnp
import numpy as np

N = 10000
E = 160000
D_IN = 256   # out_dim[-1], the input feature dim of z
H = 4        # nheads
D_OUT = 128  # in_dim, per-head GAT output dim


def setup_inputs(seed: int = 0) -> dict:
    key = jax.random.key(seed)
    ks = jax.random.split(key, 8)
    z = jax.random.normal(ks[0], (N, D_IN), dtype=jnp.float32)
    edge_index = jax.random.randint(ks[1], (2, E), 0, N, dtype=jnp.int32)
    # GATv2 parameters (DGL GATv2Conv: separate fc_src / fc_dst, attn vector per head, bias)
    W_src = jax.random.normal(ks[2], (D_IN, H * D_OUT), dtype=jnp.float32) * 0.05
    W_dst = jax.random.normal(ks[3], (D_IN, H * D_OUT), dtype=jnp.float32) * 0.05
    attn_a = jax.random.normal(ks[4], (H, D_OUT), dtype=jnp.float32) * 0.05
    gat_bias = jnp.zeros((H * D_OUT,), dtype=jnp.float32)
    # fc: Linear(H*D_OUT -> D_OUT) followed by LeakyReLU(0.2)
    fc_W = jax.random.normal(ks[5], (H * D_OUT, D_OUT), dtype=jnp.float32) * 0.05
    fc_b = jnp.zeros((D_OUT,), dtype=jnp.float32)
    return {"z": z, "edge_index": edge_index, "W_src": W_src, "W_dst": W_dst,
            "attn_a": attn_a, "gat_bias": gat_bias, "fc_W": fc_W, "fc_b": fc_b}


def _leaky(x, slope=0.2):
    return jnp.where(x > 0, x, slope * x)


def reference(z, edge_index, W_src, W_dst, attn_a, gat_bias, fc_W, fc_b):
    # dropout layers (feat_drop=0.2, attn_drop=0.1) are identity in eval mode
    src = edge_index[0]
    dst = edge_index[1]
    feat_src = (z @ W_src).reshape(N, H, D_OUT)
    feat_dst = (z @ W_dst).reshape(N, H, D_OUT)
    # GATv2 attention: e_ij = a . leaky_relu(W_src h_j + W_dst h_i)
    e = _leaky(feat_src[src] + feat_dst[dst], 0.2)          # [E, H, D_OUT]
    logits = jnp.sum(e * attn_a[None, :, :], axis=-1)        # [E, H]
    # segment softmax over incoming edges of each dst node
    m = jax.ops.segment_max(logits, dst, num_segments=N)     # [N, H]
    m = jnp.where(jnp.isfinite(m), m, 0.0)
    ex = jnp.exp(logits - m[dst])                            # [E, H]
    denom = jax.ops.segment_sum(ex, dst, num_segments=N)     # [N, H]
    alpha = ex / (denom[dst] + 1e-9)                         # [E, H]
    msg = alpha[:, :, None] * feat_src[src]                  # [E, H, D_OUT]
    rst = jax.ops.segment_sum(msg, dst, num_segments=N)      # [N, H, D_OUT]
    feat = rst.reshape(N, H * D_OUT) + gat_bias              # flatten(1)
    h = feat @ fc_W + fc_b
    return _leaky(h, 0.2)

if __name__ == "__main__":
    import jax
    _d = setup_inputs()
    print(jax.jit(kernel)(*tuple(_d.values())))

</pallas_src>

<mosaic_0001>
module attributes {stable_mosaic.version = 14 : i64} {
  func.func @_proj_body(%arg0: i32, %arg1: memref<400x256xf32, #tpu.memory_space<vmem>>, %arg2: memref<256x512xf32, #tpu.memory_space<vmem>>, %arg3: memref<256x512xf32, #tpu.memory_space<vmem>>, %arg4: memref<400x512xf32, #tpu.memory_space<vmem>>, %arg5: memref<400x512xf32, #tpu.memory_space<vmem>>) attributes {dimension_semantics = [#tpu.dimension_semantics<arbitrary>], iteration_bounds = array<i64: 25>, scalar_prefetch = 0 : i64, scratch_operands = 0 : i64, tpu.core_type = #tpu.core_type<tc>, window_params = [{transform_indices = @transform_0, window_bounds = array<i64: 400, 256>}, {pipeline_mode = #tpu.pipeline_mode<synchronous>, transform_indices = @transform_1, window_bounds = array<i64: 256, 512>}, {pipeline_mode = #tpu.pipeline_mode<synchronous>, transform_indices = @transform_2, window_bounds = array<i64: 256, 512>}, {transform_indices = @transform_3, window_bounds = array<i64: 400, 512>}, {transform_indices = @transform_4, window_bounds = array<i64: 400, 512>}]} {
    %get3A = arith.constant 0 : index
    %get3A_0 = arith.constant 0 : index
    %get3A_1 = vector.load %arg1[%get3A, %get3A_0] : memref<400x256xf32, #tpu.memory_space<vmem>>, vector<400x256xf32>
    %get3A_2 = arith.constant 0 : index
    %get3A_3 = arith.constant 0 : index
    %get3A_4 = vector.load %arg2[%get3A_2, %get3A_3] : memref<256x512xf32, #tpu.memory_space<vmem>>, vector<256x512xf32>
    %dot_general3A = arith.constant dense<0.000000e+00> : vector<400x512xf32>
    %dot_general3A_5 = tpu.matmul %get3A_1, %get3A_4, %dot_general3A {dimension_numbers = #tpu.dot_dimension_numbers<[1], [0], [0], [1], [0, 0, 1, 1], [], []>, transpose_lhs_hint = false} : vector<400x256xf32>, vector<256x512xf32>, vector<400x512xf32> -> vector<400x512xf32>
    %swap3A = arith.constant 0 : index
    %swap3A_6 = arith.constant 0 : index
    %swap3A_7 = vector.load %arg4[%swap3A, %swap3A_6] : memref<400x512xf32, #tpu.memory_space<vmem>>, vector<400x512xf32>
    tpu.vector_store %arg4[%swap3A, %swap3A_6], %dot_general3A_5 {strides = array<i32>} : memref<400x512xf32, #tpu.memory_space<vmem>>, vector<400x512xf32>,
    %get3A_8 = arith.constant 0 : index
    %get3A_9 = arith.constant 0 : index
    %get3A_10 = vector.load %arg3[%get3A_8, %get3A_9] : memref<256x512xf32, #tpu.memory_space<vmem>>, vector<256x512xf32>
    %dot_general3A_11 = arith.constant dense<0.000000e+00> : vector<400x512xf32>
    %dot_general3A_12 = tpu.matmul %get3A_1, %get3A_10, %dot_general3A_11 {dimension_numbers = #tpu.dot_dimension_numbers<[1], [0], [0], [1], [0, 0, 1, 1], [], []>, transpose_lhs_hint = false} : vector<400x256xf32>, vector<256x512xf32>, vector<400x512xf32> -> vector<400x512xf32>
    %swap3A_13 = arith.constant 0 : index
    %swap3A_14 = arith.constant 0 : index
    %swap3A_15 = vector.load %arg5[%swap3A_13, %swap3A_14] : memref<400x512xf32, #tpu.memory_space<vmem>>, vector<400x512xf32>
    tpu.vector_store %arg5[%swap3A_13, %swap3A_14], %dot_general3A_12 {strides = array<i32>} : memref<400x512xf32, #tpu.memory_space<vmem>>, vector<400x512xf32>,
    return
  }
  func.func @transform_0(%arg0: i32) -> (i32, i32) {
    %c0_i32 = arith.constant 0 : i32
    %c0_i32_0 = arith.constant 0 : i32
    return %arg0, %c0_i32 : i32, i32
  }
  func.func @transform_1(%arg0: i32) -> (i32, i32) {
    %c0_i32 = arith.constant 0 : i32
    %c0_i32_0 = arith.constant 0 : i32
    %c0_i32_1 = arith.constant 0 : i32
    return %c0_i32, %c0_i32_0 : i32, i32
  }
  func.func @transform_2(%arg0: i32) -> (i32, i32) {
    %c0_i32 = arith.constant 0 : i32
    %c0_i32_0 = arith.constant 0 : i32
    %c0_i32_1 = arith.constant 0 : i32
    return %c0_i32, %c0_i32_0 : i32, i32
  }
  func.func @transform_3(%arg0: i32) -> (i32, i32) {
    %c0_i32 = arith.constant 0 : i32
    %c0_i32_0 = arith.constant 0 : i32
    return %arg0, %c0_i32 : i32, i32
  }
  func.func @transform_4(%arg0: i32) -> (i32, i32) {
    %c0_i32 = arith.constant 0 : i32
    %c0_i32_0 = arith.constant 0 : i32
    return %arg0, %c0_i32 : i32, i32
  }
}

module attributes {stable_mosaic.version = 14 : i64} {
  func.func @_edge_body(%arg0: i32, %arg1: memref<1000x512xf32, #tpu.memory_space<vmem>>, %arg2: memref<1000x512xf32, #tpu.memory_space<vmem>>, %arg3: memref<4x128xf32, #tpu.memory_space<vmem>>, %arg4: memref<1000x512xf32, #tpu.memory_space<vmem>>, %arg5: memref<1000x4xf32, #tpu.memory_space<vmem>>) attributes {dimension_semantics = [#tpu.dimension_semantics<arbitrary>], iteration_bounds = array<i64: 160>, scalar_prefetch = 0 : i64, scratch_operands = 0 : i64, tpu.core_type = #tpu.core_type<tc>, window_params = [{transform_indices = @transform_0, window_bounds = array<i64: 1000, 512>}, {transform_indices = @transform_1, window_bounds = array<i64: 1000, 512>}, {pipeline_mode = #tpu.pipeline_mode<synchronous>, transform_indices = @transform_2, window_bounds = array<i64: 4, 128>}, {transform_indices = @transform_3, window_bounds = array<i64: 1000, 512>}, {transform_indices = @transform_4, window_bounds = array<i64: 1000, 4>}]} {
    %get3A = arith.constant 0 : index
    %get3A_0 = arith.constant 0 : index
    %get3A_1 = vector.load %arg1[%get3A, %get3A_0] : memref<1000x512xf32, #tpu.memory_space<vmem>>, vector<1000x512xf32>
    %get3A_2 = arith.constant 0 : index
    %get3A_3 = arith.constant 0 : index
    %get3A_4 = vector.load %arg2[%get3A_2, %get3A_3] : memref<1000x512xf32, #tpu.memory_space<vmem>>, vector<1000x512xf32>
    %add3A = arith.addf %get3A_1, %get3A_4 : vector<1000x512xf32>
    %mul3A = arith.constant 6.000000e-01 : f32
    %mul3A_5 = vector.broadcast %mul3A : f32 to vector<1000x512xf32>
    %mul3A_6 = arith.mulf %mul3A_5, %add3A : vector<1000x512xf32>
    %abs3A = math.absf %add3A : vector<1000x512xf32>
    %mul3A_7 = arith.constant 4.000000e-01 : f32
    %mul3A_8 = vector.broadcast %mul3A_7 : f32 to vector<1000x512xf32>
    %mul3A_9 = arith.mulf %mul3A_8, %abs3A : vector<1000x512xf32>
    %add3A_10 = arith.addf %mul3A_6, %mul3A_9 : vector<1000x512xf32>
    %reshape3A = vector.shape_cast %add3A_10 : vector<1000x512xf32> to vector<1000x4x128xf32>
    %get3A_11 = arith.constant 0 : index
    %get3A_12 = arith.constant 0 : index
    %get3A_13 = vector.load %arg3[%get3A_11, %get3A_12] : memref<4x128xf32, #tpu.memory_space<vmem>>, vector<4x128xf32>
    %broadcast_in_dim3A = vector.shape_cast %get3A_13 : vector<4x128xf32> to vector<1x4x128xf32>
    %mul3A_14 = vector.broadcast %broadcast_in_dim3A : vector<1x4x128xf32> to vector<1000x4x128xf32>
    %mul3A_15 = arith.mulf %reshape3A, %mul3A_14 : vector<1000x4x128xf32>
    %reduce_sum3A = arith.constant dense<0.000000e+00> : vector<1000x4xf32>
    %reduce_sum3A_16 = vector.multi_reduction <add>, %mul3A_15, %reduce_sum3A [2] : vector<1000x4x128xf32> to vector<1000x4xf32>
    %exp3A = math.exp %reduce_sum3A_16 : vector<1000x4xf32>
    %swap3A = arith.constant 0 : index
    %swap3A_17 = arith.constant 0 : index
    %swap3A_18 = vector.load %arg5[%swap3A, %swap3A_17] : memref<1000x4xf32, #tpu.memory_space<vmem>>, vector<1000x4xf32>
    tpu.vector_store %arg5[%swap3A, %swap3A_17], %exp3A {strides = array<i32>} : memref<1000x4xf32, #tpu.memory_space<vmem>>, vector<1000x4xf32>,
    %reshape3A_19 = vector.shape_cast %get3A_1 : vector<1000x512xf32> to vector<1000x4x128xf32>
    %broadcast_in_dim3A_20 = vector.shape_cast %exp3A : vector<1000x4xf32> to vector<1000x4x1xf32>
    %mul3A_21 = vector.broadcast %broadcast_in_dim3A_20 : vector<1000x4x1xf32> to vector<1000x4x128xf32>
    %mul3A_22 = arith.mulf %reshape3A_19, %mul3A_21 : vector<1000x4x128xf32>
    %reshape3A_23 = vector.shape_cast %mul3A_22 : vector<1000x4x128xf32> to vector<1000x512xf32>
    %swap3A_24 = arith.constant 0 : index
    %swap3A_25 = arith.constant 0 : index
    %swap3A_26 = vector.load %arg4[%swap3A_24, %swap3A_25] : memref<1000x512xf32, #tpu.memory_space<vmem>>, vector<1000x512xf32>
    tpu.vector_store %arg4[%swap3A_24, %swap3A_25], %reshape3A_23 {strides = array<i32>} : memref<1000x512xf32, #tpu.memory_space<vmem>>, vector<1000x512xf32>,
    return
  }
  func.func @transform_0(%arg0: i32) -> (i32, i32) {
    %c0_i32 = arith.constant 0 : i32
    %c0_i32_0 = arith.constant 0 : i32
    return %arg0, %c0_i32 : i32, i32
  }
  func.func @transform_1(%arg0: i32) -> (i32, i32) {
    %c0_i32 = arith.constant 0 : i32
    %c0_i32_0 = arith.constant 0 : i32
    return %arg0, %c0_i32 : i32, i32
  }
  func.func @transform_2(%arg0: i32) -> (i32, i32) {
    %c0_i32 = arith.constant 0 : i32
    %c0_i32_0 = arith.constant 0 : i32
    %c0_i32_1 = arith.constant 0 : i32
    return %c0_i32, %c0_i32_0 : i32, i32
  }
  func.func @transform_3(%arg0: i32) -> (i32, i32) {
    %c0_i32 = arith.constant 0 : i32
    %c0_i32_0 = arith.constant 0 : i32
    return %arg0, %c0_i32 : i32, i32
  }
  func.func @transform_4(%arg0: i32) -> (i32, i32) {
    %c0_i32 = arith.constant 0 : i32
    %c0_i32_0 = arith.constant 0 : i32
    return %arg0, %c0_i32 : i32, i32
  }
}

module attributes {stable_mosaic.version = 14 : i64} {
  func.func @_fc_body(%arg0: i32, %arg1: memref<400x512xf32, #tpu.memory_space<vmem>>, %arg2: memref<400x4xf32, #tpu.memory_space<vmem>>, %arg3: memref<4x128xf32, #tpu.memory_space<vmem>>, %arg4: memref<4x128x128xf32, #tpu.memory_space<vmem>>, %arg5: memref<1x128xf32, #tpu.memory_space<vmem>>, %arg6: memref<400x128xf32, #tpu.memory_space<vmem>>) attributes {dimension_semantics = [#tpu.dimension_semantics<arbitrary>], iteration_bounds = array<i64: 25>, scalar_prefetch = 0 : i64, scratch_operands = 0 : i64, tpu.core_type = #tpu.core_type<tc>, window_params = [{transform_indices = @transform_0, window_bounds = array<i64: 400, 512>}, {transform_indices = @transform_1, window_bounds = array<i64: 400, 4>}, {pipeline_mode = #tpu.pipeline_mode<synchronous>, transform_indices = @transform_2, window_bounds = array<i64: 4, 128>}, {pipeline_mode = #tpu.pipeline_mode<synchronous>, transform_indices = @transform_3, window_bounds = array<i64: 4, 128, 128>}, {pipeline_mode = #tpu.pipeline_mode<synchronous>, transform_indices = @transform_4, window_bounds = array<i64: 1, 128>}, {transform_indices = @transform_5, window_bounds = array<i64: 400, 128>}]} {
    %broadcast_in_dim3A = arith.constant 0.000000e+00 : f32
    %broadcast_in_dim3A_0 = vector.broadcast %broadcast_in_dim3A : f32 to vector<400x128xf32>
    %get3A = arith.constant 0 : index
    %get3A_1 = arith.constant 0 : index
    %get3A_2 = vector.load %arg5[%get3A, %get3A_1] : memref<1x128xf32, #tpu.memory_space<vmem>>, vector<1x128xf32>
    %add3A = vector.broadcast %get3A_2 : vector<1x128xf32> to vector<400x128xf32>
    %add3A_3 = arith.addf %broadcast_in_dim3A_0, %add3A : vector<400x128xf32>
    %get3A_4 = arith.constant 0 : index
    %get3A_5 = arith.constant 0 : index
    %get3A_6 = vector.load %arg2[%get3A_4, %get3A_5] : memref<400x4xf32, #tpu.memory_space<vmem>>, vector<400x4xf32>
    %max3A = arith.constant 1.000000e-30 : f32
    %max3A_7 = vector.broadcast %max3A : f32 to vector<400x4xf32>
    %max3A_8 = arith.maximumf %get3A_6, %max3A_7 : vector<400x4xf32>
    %get3A_9 = arith.constant 0 : index
    %get3A_10 = arith.constant 0 : index
    %get3A_11 = vector.load %arg1[%get3A_9, %get3A_10] : memref<400x512xf32, #tpu.memory_space<vmem>>, vector<400x512xf32>
    %slice3A = vector.extract_strided_slice %get3A_11 {offsets = [0, 0], sizes = [400, 128], strides = [1, 1]} : vector<400x512xf32> to vector<400x128xf32>
    %slice3A_12 = vector.extract_strided_slice %max3A_8 {offsets = [0, 0], sizes = [400, 1], strides = [1, 1]} : vector<400x4xf32> to vector<400x1xf32>
    %div3A = vector.broadcast %slice3A_12 : vector<400x1xf32> to vector<400x128xf32>
    %div3A_13 = arith.divf %slice3A, %div3A : vector<400x128xf32>
    %get3A_14 = arith.constant 0 : index
    %get3A_15 = arith.constant 0 : index
    %get3A_16 = vector.load %arg3[%get3A_14, %get3A_15] : memref<4x128xf32, #tpu.memory_space<vmem>>, vector<4x128xf32>
    %slice3A_17 = vector.extract_strided_slice %get3A_16 {offsets = [0, 0], sizes = [1, 128], strides = [1, 1]} : vector<4x128xf32> to vector<1x128xf32>
    %squeeze3A = vector.shape_cast %slice3A_17 : vector<1x128xf32> to vector<128xf32>
    %broadcast_in_dim3A_18 = vector.shape_cast %squeeze3A : vector<128xf32> to vector<1x128xf32>
    %add3A_19 = vector.broadcast %broadcast_in_dim3A_18 : vector<1x128xf32> to vector<400x128xf32>
    %add3A_20 = arith.addf %div3A_13, %add3A_19 : vector<400x128xf32>
    %get3A_21 = arith.constant 0 : index
    %get3A_22 = arith.constant 0 : index
    %get3A_23 = arith.constant 0 : index
    %get3A_24 = vector.load %arg4[%get3A_21, %get3A_22, %get3A_23] : memref<4x128x128xf32, #tpu.memory_space<vmem>>, vector<1x128x128xf32>
    %get3A_25 = vector.shape_cast %get3A_24 : vector<1x128x128xf32> to vector<128x128xf32>
    %dot_general3A = arith.constant dense<0.000000e+00> : vector<400x128xf32>
    %dot_general3A_26 = tpu.matmul %add3A_20, %get3A_25, %dot_general3A {dimension_numbers = #tpu.dot_dimension_numbers<[1], [0], [0], [1], [0, 0, 1, 1], [], []>, transpose_lhs_hint = false} : vector<400x128xf32>, vector<128x128xf32>, vector<400x128xf32> -> vector<400x128xf32>
    %add3A_27 = arith.addf %add3A_3, %dot_general3A_26 : vector<400x128xf32>
    %get3A_28 = arith.constant 0 : index
    %get3A_29 = arith.constant 0 : index
    %get3A_30 = vector.load %arg1[%get3A_28, %get3A_29] : memref<400x512xf32, #tpu.memory_space<vmem>>, vector<400x512xf32>
    %slice3A_31 = vector.extract_strided_slice %get3A_30 {offsets = [0, 128], sizes = [400, 128], strides = [1, 1]} : vector<400x512xf32> to vector<400x128xf32>
    %slice3A_32 = vector.extract_strided_slice %max3A_8 {offsets = [0, 1], sizes = [400, 1], strides = [1, 1]} : vector<400x4xf32> to vector<400x1xf32>
    %div3A_33 = vector.broadcast %slice3A_32 : vector<400x1xf32> to vector<400x128xf32>
    %div3A_34 = arith.divf %slice3A_31, %div3A_33 : vector<400x128xf32>
    %get3A_35 = arith.constant 0 : index
    %get3A_36 = arith.constant 0 : index
    %get3A_37 = vector.load %arg3[%get3A_35, %get3A_36] : memref<4x128xf32, #tpu.memory_space<vmem>>, vector<4x128xf32>
    %slice3A_38 = vector.extract_strided_slice %get3A_37 {offsets = [1, 0], sizes = [1, 128], strides = [1, 1]} : vector<4x128xf32> to vector<1x128xf32>
    %squeeze3A_39 = vector.shape_cast %slice3A_38 : vector<1x128xf32> to vector<128xf32>
    %broadcast_in_dim3A_40 = vector.shape_cast %squeeze3A_39 : vector<128xf32> to vector<1x128xf32>
    %add3A_41 = vector.broadcast %broadcast_in_dim3A_40 : vector<1x128xf32> to vector<400x128xf32>
    %add3A_42 = arith.addf %div3A_34, %add3A_41 : vector<400x128xf32>
    %get3A_43 = arith.constant 1 : index
    %get3A_44 = arith.constant 0 : index
    %get3A_45 = arith.constant 0 : index
    %get3A_46 = vector.load %arg4[%get3A_43, %get3A_44, %get3A_45] : memref<4x128x128xf32, #tpu.memory_space<vmem>>, vector<1x128x128xf32>
    %get3A_47 = vector.shape_cast %get3A_46 : vector<1x128x128xf32> to vector<128x128xf32>
    %dot_general3A_48 = arith.constant dense<0.000000e+00> : vector<400x128xf32>
    %dot_general3A_49 = tpu.matmul %add3A_42, %get3A_47, %dot_general3A_48 {dimension_numbers = #tpu.dot_dimension_numbers<[1], [0], [0], [1], [0, 0, 1, 1], [], []>, transpose_lhs_hint = false} : vector<400x128xf32>, vector<128x128xf32>, vector<400x128xf32> -> vector<400x128xf32>
    %add3A_50 = arith.addf %add3A_27, %dot_general3A_49 : vector<400x128xf32>
    %get3A_51 = arith.constant 0 : index
    %get3A_52 = arith.constant 0 : index
    %get3A_53 = vector.load %arg1[%get3A_51, %get3A_52] : memref<400x512xf32, #tpu.memory_space<vmem>>, vector<400x512xf32>
    %slice3A_54 = vector.extract_strided_slice %get3A_53 {offsets = [0, 256], sizes = [400, 128], strides = [1, 1]} : vector<400x512xf32> to vector<400x128xf32>
    %slice3A_55 = vector.extract_strided_slice %max3A_8 {offsets = [0, 2], sizes = [400, 1], strides = [1, 1]} : vector<400x4xf32> to vector<400x1xf32>
    %div3A_56 = vector.broadcast %slice3A_55 : vector<400x1xf32> to vector<400x128xf32>
    %div3A_57 = arith.divf %slice3A_54, %div3A_56 : vector<400x128xf32>
    %get3A_58 = arith.constant 0 : index
    %get3A_59 = arith.constant 0 : index
    %get3A_60 = vector.load %arg3[%get3A_58, %get3A_59] : memref<4x128xf32, #tpu.memory_space<vmem>>, vector<4x128xf32>
    %slice3A_61 = vector.extract_strided_slice %get3A_60 {offsets = [2, 0], sizes = [1, 128], strides = [1, 1]} : vector<4x128xf32> to vector<1x128xf32>
    %squeeze3A_62 = vector.shape_cast %slice3A_61 : vector<1x128xf32> to vector<128xf32>
    %broadcast_in_dim3A_63 = vector.shape_cast %squeeze3A_62 : vector<128xf32> to vector<1x128xf32>
    %add3A_64 = vector.broadcast %broadcast_in_dim3A_63 : vector<1x128xf32> to vector<400x128xf32>
    %add3A_65 = arith.addf %div3A_57, %add3A_64 : vector<400x128xf32>
    %get3A_66 = arith.constant 2 : index
    %get3A_67 = arith.constant 0 : index
    %get3A_68 = arith.constant 0 : index
    %get3A_69 = vector.load %arg4[%get3A_66, %get3A_67, %get3A_68] : memref<4x128x128xf32, #tpu.memory_space<vmem>>, vector<1x128x128xf32>
    %get3A_70 = vector.shape_cast %get3A_69 : vector<1x128x128xf32> to vector<128x128xf32>
    %dot_general3A_71 = arith.constant dense<0.000000e+00> : vector<400x128xf32>
    %dot_general3A_72 = tpu.matmul %add3A_65, %get3A_70, %dot_general3A_71 {dimension_numbers = #tpu.dot_dimension_numbers<[1], [0], [0], [1], [0, 0, 1, 1], [], []>, transpose_lhs_hint = false} : vector<400x128xf32>, vector<128x128xf32>, vector<400x128xf32> -> vector<400x128xf32>
    %add3A_73 = arith.addf %add3A_50, %dot_general3A_72 : vector<400x128xf32>
    %get3A_74 = arith.constant 0 : index
    %get3A_75 = arith.constant 0 : index
    %get3A_76 = vector.load %arg1[%get3A_74, %get3A_75] : memref<400x512xf32, #tpu.memory_space<vmem>>, vector<400x512xf32>
    %slice3A_77 = vector.extract_strided_slice %get3A_76 {offsets = [0, 384], sizes = [400, 128], strides = [1, 1]} : vector<400x512xf32> to vector<400x128xf32>
    %slice3A_78 = vector.extract_strided_slice %max3A_8 {offsets = [0, 3], sizes = [400, 1], strides = [1, 1]} : vector<400x4xf32> to vector<400x1xf32>
    %div3A_79 = vector.broadcast %slice3A_78 : vector<400x1xf32> to vector<400x128xf32>
    %div3A_80 = arith.divf %slice3A_77, %div3A_79 : vector<400x128xf32>
    %get3A_81 = arith.constant 0 : index
    %get3A_82 = arith.constant 0 : index
    %get3A_83 = vector.load %arg3[%get3A_81, %get3A_82] : memref<4x128xf32, #tpu.memory_space<vmem>>, vector<4x128xf32>
    %slice3A_84 = vector.extract_strided_slice %get3A_83 {offsets = [3, 0], sizes = [1, 128], strides = [1, 1]} : vector<4x128xf32> to vector<1x128xf32>
    %squeeze3A_85 = vector.shape_cast %slice3A_84 : vector<1x128xf32> to vector<128xf32>
    %broadcast_in_dim3A_86 = vector.shape_cast %squeeze3A_85 : vector<128xf32> to vector<1x128xf32>
    %add3A_87 = vector.broadcast %broadcast_in_dim3A_86 : vector<1x128xf32> to vector<400x128xf32>
    %add3A_88 = arith.addf %div3A_80, %add3A_87 : vector<400x128xf32>
    %get3A_89 = arith.constant 3 : index
    %get3A_90 = arith.constant 0 : index
    %get3A_91 = arith.constant 0 : index
    %get3A_92 = vector.load %arg4[%get3A_89, %get3A_90, %get3A_91] : memref<4x128x128xf32, #tpu.memory_space<vmem>>, vector<1x128x128xf32>
    %get3A_93 = vector.shape_cast %get3A_92 : vector<1x128x128xf32> to vector<128x128xf32>
    %dot_general3A_94 = arith.constant dense<0.000000e+00> : vector<400x128xf32>
    %dot_general3A_95 = tpu.matmul %add3A_88, %get3A_93, %dot_general3A_94 {dimension_numbers = #tpu.dot_dimension_numbers<[1], [0], [0], [1], [0, 0, 1, 1], [], []>, transpose_lhs_hint = false} : vector<400x128xf32>, vector<128x128xf32>, vector<400x128xf32> -> vector<400x128xf32>
    %add3A_96 = arith.addf %add3A_73, %dot_general3A_95 : vector<400x128xf32>
    %gt3A = arith.constant 0.000000e+00 : f32
    %gt3A_97 = vector.broadcast %gt3A : f32 to vector<400x128xf32>
    %gt3A_98 = arith.cmpf ogt, %add3A_96, %gt3A_97 : vector<400x128xf32>
    %mul3A = arith.constant 2.000000e-01 : f32
    %mul3A_99 = vector.broadcast %mul3A : f32 to vector<400x128xf32>
    %mul3A_100 = arith.mulf %mul3A_99, %add3A_96 : vector<400x128xf32>
    %select_n3A = arith.select %gt3A_98, %add3A_96, %mul3A_100 : vector<400x128xi1>, vector<400x128xf32>
    %swap3A = arith.constant 0 : index
    %swap3A_101 = arith.constant 0 : index
    %swap3A_102 = vector.load %arg6[%swap3A, %swap3A_101] : memref<400x128xf32, #tpu.memory_space<vmem>>, vector<400x128xf32>
    tpu.vector_store %arg6[%swap3A, %swap3A_101], %select_n3A {strides = array<i32>} : memref<400x128xf32, #tpu.memory_space<vmem>>, vector<400x128xf32>,
    return
  }
  func.func @transform_0(%arg0: i32) -> (i32, i32) {
    %c0_i32 = arith.constant 0 : i32
    %c0_i32_0 = arith.constant 0 : i32
    return %arg0, %c0_i32 : i32, i32
  }
  func.func @transform_1(%arg0: i32) -> (i32, i32) {
    %c0_i32 = arith.constant 0 : i32
    %c0_i32_0 = arith.constant 0 : i32
    return %arg0, %c0_i32 : i32, i32
  }
  func.func @transform_2(%arg0: i32) -> (i32, i32) {
    %c0_i32 = arith.constant 0 : i32
    %c0_i32_0 = arith.constant 0 : i32
    %c0_i32_1 = arith.constant 0 : i32
    return %c0_i32, %c0_i32_0 : i32, i32
  }
  func.func @transform_3(%arg0: i32) -> (i32, i32, i32) {
    %c0_i32 = arith.constant 0 : i32
    %c0_i32_0 = arith.constant 0 : i32
    %c0_i32_1 = arith.constant 0 : i32
    %c0_i32_2 = arith.constant 0 : i32
    return %c0_i32, %c0_i32_0, %c0_i32_1 : i32, i32, i32
  }
  func.func @transform_4(%arg0: i32) -> (i32, i32) {
    %c0_i32 = arith.constant 0 : i32
    %c0_i32_0 = arith.constant 0 : i32
    %c0_i32_1 = arith.constant 0 : i32
    return %c0_i32, %c0_i32_0 : i32, i32
  }
  func.func @transform_5(%arg0: i32) -> (i32, i32) {
    %c0_i32 = arith.constant 0 : i32
    %c0_i32_0 = arith.constant 0 : i32
    return %arg0, %c0_i32 : i32, i32
  }
}

</mosaic_0001>

<sc_bundles>
// kernel: scatter_offload_async_start.1
scs
__scs_entry_jumppad:
0x0: {  	(pc) =	sbr.rel $0x88, $3  }
0x1: {  	(tag) =	ssettag $0x0;
	lr =	simm.s32 $0x1  }
0x2: {  	[smem:$0x3F99] =	sst lr;
	_ =	strace $0xD0000000  }
0x3: {  	_ = 	snop  }
0x4: {  	_ = 	snop  }
0x5: {  	_ = 	snop  }
0x6: {  	_ = 	snop  }
0x7: {  	_ = 	snop  }
__scs_overlays_trampoline_lowered:
0x8: {  	[smem:$0x3FA8] =	sst s0  }
0x9: {  	[smem:$0x3FA9] =	sst s1  }
0xa: {  	[smem:$0x3FAA] =	sst s2  }
0xb: {  	[smem:$0x3FAB] =	sst s3  }
0xc: {  	[smem:$0x3FAC] =	sst s4  }
0xd: {  	[smem:$0x3FAD] =	sst s5  }
0xe: {  	[smem:$0x3FAE] =	sst s6  }
0xf: {  	[smem:$0x3FAF] =	sst s7  }
0x10: {  	[smem:$0x3FB0] =	sst s8  }
0x11: {  	[smem:$0x3FB1] =	sst s9;
	s0 =	simm.s32 @!p0 $0x0  }
0x12: {  	s1 =	sld [smem:$0x3F97];
	s0 =	simm.s32 @p0 $0x1  }
0x13: {  	[smem:$0x3FB2] =	sst s0;
	s0 =	simm.s32 @!p1 $0x0  }
0x14: {  	s2 =	sld [smem:$0x3F96];
	s0 =	simm.s32 @p1 $0x1  }
0x15: {  	[smem:$0x3FB3] =	sst s0;
	s0 =	simm.s32 @!p2 $0x0  }
0x16: {  	s3 =	sld [smem:$0x3FDB];
	s0 =	simm.s32 @p2 $0x1  }
0x17: {  	s4 =	simm.s32 $0x1BF5;
	[smem:$0x3FB5] =	sst s0  }
0x18: {  	s0 =	sld [smem:$0x3F98];
	_ =	swait.ge [sflag:s4], $0x0  }
0x19: {  	s7 =	sld [smem:$0x3F99]  }
0x1a: {  	s8 =	sadd.s32 $0xFFFFE003, lr  }
0x1b: {  	s9 =	sadd.s32 $0xFFFFFEF7, lr;
	s5 =	simm.s32 $0xFFFFFFFF;
	p2 =	slt.u32 s8, $0xFFFFF086  }
0x1c: {  	p1 =	slt.u32 s9, $0xF7A;
	s5 =	simm.s32 @!p2 $0x0  }
0x1d: {  	s5 =	simm.s32 @p1 $0x1;
	p0 =	seq.s32 s7, s2  }
0x1e: {  	s7 =	smul.u32 @!p0 $0xF7A, s2;
	p2 =	seq.s32 @!p0 s5, $0x0  }
0x1f: {  	s9 =	smul.u32 $0xF7A, s1;
	s8 =	simm.s32 @!p0 $0x1BF5;
	p2 =	por !p2, p0  }
0x20: {  	[sflag:s8] =	ssyncset.s32 @!p0 $0xFFFFF086;
	s6 =	sadd.s32 @!p0 s3, s7;
	s7 =	simm.s32 @!p0 $0x108  }
0x21: {  	s3 =	sadd.s32 s3, s9;
	s6 =	sadd.s32 @!p0 $0x88, s6;
	s7 =	simm.s32 @p2 $0x1082  }
0x22: {  	[simem:s7], [sflag:s8] =	dma.local @!p0 [hbm:s6], $0xF7A  }
0x23: {  	s9 =	sor.u32 $0xD0000000, s2;
	s6 =	simm.s32 $0x108;
	_ =	swait.ge @!p0 [sflag:s8], $0x0  }
0x24: {  	s3 =	sadd.s32 $0x88, s3;
	s6 =	simm.s32 @!p1 $0x1082;
	[sflag:s4] =	ssyncset.s32 $0xFFFFF086  }
0x25: {  	[simem:s6], [sflag:s4] =	dma.local [hbm:s3], $0xF7A  }
0x26: {  	[smem:$0x3F99] =	sst s1;
	(tag) =	ssettag s2;
	_ =	strace s9  }
0x27: {  	s1 =	sld [smem:$0x3FA9]  }
0x28: {  	s2 =	sld [smem:$0x3FAA]  }
0x29: {  	s4 =	sld [smem:$0x3FAC]  }
0x2a: {  	p0 =	seq.s32 s5, $0x0;
	s5 =	sld [smem:$0x3FAD]  }
0x2b: {  	s6 =	sld [smem:$0x3FAE]  }
0x2c: {  	s7 =	sld [smem:$0x3FAF]  }
0x2d: {  	s3 =	simm.s32 $0x108;
	s8 =	sld [smem:$0x3FB0]  }
0x2e: {  	s3 =	simm.s32 @!p0 $0x1082;
	s9 =	sld [smem:$0x3FB1]  }
0x2f: {  	lr =	sadd.s32 s0, s3;
	s0 =	sld [smem:$0x3FA8]  }
0x30: {  	s3 =	sld [smem:$0x3FAB]  }
0x31: {  	[smem:$0x3FB4] =	sst s10  }
0x32: {  	s10 =	sld [smem:$0x3FB2];
	_ =	sdelay $0x3  }
0x33: {  	p0 =	seq.s32 s10, $0x1;
	s10 =	sld [smem:$0x3FB4];
	_ =	sdelay $0x3  }
0x34: {  	[smem:$0x3FB4] =	sst s10  }
0x35: {  	s10 =	sld [smem:$0x3FB3];
	_ =	sdelay $0x3  }
0x36: {  	p1 =	seq.s32 s10, $0x1;
	s10 =	sld [smem:$0x3FB4];
	_ =	sdelay $0x3  }
0x37: {  	[smem:$0x3FB4] =	sst s10  }
0x38: {  	s10 =	sld [smem:$0x3FB5]  }
0x39: {  	_ = 	snop;
	(pc) =	sbr.ind lr, $3  }
0x3a: {  	_ = 	snop  }
0x3b: {  	_ = 	snop  }
0x3c: {  	p2 =	seq.s32 s10, $0x1;
	s10 =	sld [smem:$0x3FB4]  }
0x3d: {  	_ =	shalt  }
0x3e: {  	_ =	shalt  }
0x3f: {  	_ =	shalt  }
0x40: {  	_ =	shalt  }
0x41: {  	_ =	shalt  }
0x42: {  	_ =	shalt  }
0x43: {  	_ =	shalt  }
0x44: {  	_ =	shalt  }
0x45: {  	_ =	shalt  }
0x46: {  	_ =	shalt  }
0x47: {  	_ =	shalt  }
0x48: {  	_ =	shalt  }
0x49: {  	_ =	shalt  }
0x4a: {  	_ =	shalt  }
0x4b: {  	_ =	shalt  }
0x4c: {  	_ =	shalt  }
0x4d: {  	_ =	shalt  }
0x4e: {  	_ =	shalt  }
0x4f: {  	_ =	shalt  }
0x50: {  	_ =	shalt  }
0x51: {  	_ =	shalt  }
0x52: {  	_ =	shalt  }
0x53: {  	_ =	shalt  }
0x54: {  	_ =	shalt  }
0x55: {  	_ =	shalt  }
0x56: {  	_ =	shalt  }
0x57: {  	_ =	shalt  }
0x58: {  	_ =	shalt  }
0x59: {  	_ =	shalt  }
0x5a: {  	_ =	shalt  }
0x5b: {  	_ =	shalt  }
0x5c: {  	_ =	shalt  }
0x5d: {  	_ =	shalt  }
0x5e: {  	_ =	shalt  }
0x5f: {  	_ =	shalt  }
0x60: {  	_ =	shalt  }
0x61: {  	_ =	shalt  }
0x62: {  	_ =	shalt  }
0x63: {  	_ =	shalt  }
0x64: {  	_ =	shalt  }
0x65: {  	_ =	shalt  }
0x66: {  	_ =	shalt  }
0x67: {  	_ =	shalt  }
0x68: {  	_ =	shalt  }
0x69: {  	_ =	shalt  }
0x6a: {  	_ =	shalt  }
0x6b: {  	_ =	shalt  }
0x6c: {  	_ =	shalt  }
0x6d: {  	_ =	shalt  }
0x6e: {  	_ =	shalt  }
0x6f: {  	_ =	shalt  }
0x70: {  	_ =	shalt  }
0x71: {  	_ =	shalt  }
0x72: {  	_ =	shalt  }
0x73: {  	_ =	shalt  }
0x74: {  	_ =	shalt  }
0x75: {  	_ =	shalt  }
0x76: {  	_ =	shalt  }
0x77: {  	_ =	shalt  }
0x78: {  	_ =	shalt  }
0x79: {  	_ =	shalt  }
0x7a: {  	_ =	shalt  }
0x7b: {  	_ =	shalt  }
0x7c: {  	_ =	shalt  }
0x7d: {  	_ =	shalt  }
0x7e: {  	_ =	shalt  }
0x7f: {  	_ =	shalt  }
0x80: {  	_ =	shalt  }
0x81: {  	_ =	shalt  }
0x82: {  	_ =	shalt  }
0x83: {  	_ =	shalt  }
0x84: {  	_ =	shalt  }
0x85: {  	_ =	shalt  }
0x86: {  	_ =	shalt  }
0x87: {  	_ =	shalt  }
.Lfunc_end0:
.L_simem_size_0:
called_computation.1_lowered:
.L_overlay_start_0:
0x88: {  	s2 =	sld [smem:$0x3FD9]  }
0x89: {  	s3 =	sld [smem:$0x3FFE];
	_ =	sdelay $0x1  }
0x8a: {  	s1 =	srdreg.scid  }
0x8b: {  	s0 =	sand.u32 $0x1, s1  }
0x8c: {  	s17 =	sshll.u32 s0, $0xA;
	s2 =	sadd.s32 s3, s2  }
0x8d: {  	s2 =	sadd.s32 s2, s17  }
0x8e: {  	[smem:$0x3FC0] =	sst s2  }
0x8f: {  	_ = 	snop  }
0x90: {  	(tm) =	ssettm $0x1  }
0x91: {  	s18 =	sld [smem:$0x3FFB];
	_ =	sdelay $0x3  }
0x92: {  	_ =	strace s18  }
0x93: {  	s2 =	sld [smem:$0x3FFC];
	_ =	sdelay $0x3  }
0x94: {  	_ =	strace s2  }
0x95: {  	s2 =	sld [smem:$0x3FFD];
	_ =	sdelay $0x3  }
0x96: {  	_ =	strace s2  }
0x97: {  	_ =	strace $0x8FFFFFFF  }
0x98: {  	s19 =	sld [smem:$0x3FDB];
	_ =	sdelay $0x1  }
0x99: {  	s20 =	simm.s32 $_scs_section_size  }
0x9a: {  	s4 =	simm.s32 $_size__tile_overlayer_lowered;
	s5 =	simm.s32 $_tile_overlayer_lowered  }
0x9b: {  	s6 =	simm.s32 $0x1BFF;
	s21 =	sshll.u32 s5, $0x1;
	s3 =	sadd.s32 s20, s19  }
0x9c: {  	s22 =	simm.s32 $0x0;
	s4 =	sshll.u32 s4, $0x1;
	s5 =	sadd.s32 s21, s3  }
0x9d: {  	[timem:s22], [sflag:s6] =	dma.local [hbm:s5], s4  }
0x9e: {  	_ =	swait.ge [sflag:s6], s4  }
0x9f: {  	s4 =	ssub.s32 $0x0, s4;
	[sflag:s6] =	ssyncset.done $0x0  }
0xa0: {  	[sflag:s6] =	ssyncadd.s32 s4;
	_ =	sdelay $0x1  }
0xa1: {  	s23 =	simm.s32 $0x1B8B  }
0xa2: {  	_ =	swait.ge [sflag:s23], $0x1  }
0xa3: {  	[sflag:s23] =	ssyncset.done $0x0  }
0xa4: {  	[sflag:s23] =	ssyncadd.s32 $0xFFFFFFFF  }
0xa5: {  	s4 =	sld [smem:$0x0]  }
0xa6: {  	s5 =	sand.u32 $0xFFFFFFFE, s1  }
0xa7: {  	p0 =	sne.s32 s1, s5  }
0xa8: {  	s5 =	sshll.u32 @p0 s5, $0xE  }
0xa9: {  	s5 =	sadd.s32 @p0 $0x11B8D, s5;
	s6 =	sshll.u32 @p0 s4, $0x11  }
0xaa: {  	s5 =	sor.u32 @p0 s6, s5  }
0xab: {  	[sflag:s5] =	ssyncadd.remote.s32 @p0 $0x1;
	_ =	sdelay $0x1  }
0xac: {  	s5 =	simm.s32 @p0 $0x1B8D  }
0xad: {  	_ =	swait.eq @p0 [sflag:s5], $0x1  }
0xae: {  	[sflag:s5] =	ssyncadd.s32 @p0 $0xFFFFFFFF  }
0xaf: {  	s6 =	sshll.u32 @!p0 s1, $0xE  }
0xb0: {  	s6 =	sor.u32 @!p0 $0x4000, s6;
	s5 =	simm.s32 @!p0 $0x1B8D  }
0xb1: {  	s7 =	sshll.u32 @!p0 s4, $0x11;
	s6 =	sadd.s32 @!p0 $0x11B8D, s6;
	_ =	swait.eq @!p0 [sflag:s5], $0x1  }
0xb2: {  	[sflag:s5] =	ssyncadd.s32 @!p0 $0xFFFFFFFF;
	s5 =	sor.u32 @!p0 s7, s6  }
0xb3: {  	s25 =	simm.s32 $0x1B8E;
	s24 =	sld [smem:$0x3FFE];
	[sflag:s5] =	ssyncadd.remote.s32 @!p0 $0x1  }
0xb4: {  	s26 =	simm.s32 $execute0_lowered;
	[smem:$0x3FD2] =	sst s25  }
0xb5: {  	s6 =	sshll.u32 s26, $0x1;
	_ =	strace $0x80000049;
	[dreg:$0x1] =	wrdreg $0xFFFFFFFF  }
0xb6: {  	s28 =	simm.s32 $_size_execute0_lowered;
	s3 =	sadd.s32 s3, s6;
	[dreg:$0x0] =	wrdreg $0x0  }
0xb7: {  	s6 =	sshll.u32 s28, $0x1;
	[dreg:$0x2] =	wrdreg s3  }
0xb8: {  	[dreg:$0x3] =	wrdreg s6  }
0xb9: {  	[dreg:$0x4] =	wrdreg $0xC0  }
0xba: {  	_ =	task [dreg:s22], $0x5FFFF  }
0xbb: {  	[dreg:$0x1] =	wrdreg $0xFFFFFFFF  }
0xbc: {  	[dreg:$0x0] =	wrdreg $0x60  }
0xbd: {  	[dreg:$0x2] =	wrdreg s24  }
0xbe: {  	[dreg:$0x3] =	wrdreg s1  }
0xbf: {  	[dreg:$0x4] =	wrdreg s4  }
0xc0: {  	[dreg:$0x5] =	wrdreg $0xA  }
0xc1: {  	_ =	task.clear_ibuf [dreg:s22], $0x6FFFF;
	_ =	strace $0x90000049  }
0xc2: {  	s29 =	simm.s32 $0xA;
	_ =	strace $0x8000004B  }
0xc3: {  	_ =	swait.ge [sflag:s29], $0x1  }
0xc4: {  	[sflag:s29] =	ssyncadd.s32 $0xFFFFFFFF  }
0xc5: {  	_ =	strace $0x9000004B  }
0xc6: {  	_ =	sfence  }
0xc7: {  	s30 =	sld [smem:$0x0];
	_ =	sdelay $0x2  }
0xc8: {  	s31 =	sshll.u32 s1, $0xD;
	s1 =	sshrl.u32 s1, $0x2  }
0xc9: {  	s4 =	sand.u32 $0x4000, s31;
	s1 =	sadd.s32 s1, s30  }
0xca: {  	s0 =	sor.u32 s4, s0;
	s1 =	sshll.u32 s1, $0x11  }
0xcb: {  	s0 =	sor.u32 s1, s0  }
0xcc: {  	s0 =	sadd.s32 $0x8F2B, s0  }
0xcd: {  	[sflag:s0] =	ssyncadd.remote.s32 $0x1  }
0xce: {  	_ =	sfence.sel $0xFFFF  }
0xcf: {  	[dreg:$0x0] =	wrdreg $0xFFFFFFFF;
	(pc) =	sbr.abs _section_cstart, $3  }
0xd0: {  	[dreg:$0x1] =	wrdreg $0xFFFFFFFF  }
0xd1: {  	_ =	task.clear_ibuf [dreg:s22], $0x2FFFF;
	_ =	strace $0x9FFFFFFF  }
0xd2: {  	(tm) =	ssettm $0x7FFFFFFF  }
0xd3: {  	_ =	shalt  }
tec
execute0_lowered:
.L_overlay_start_1:
0x0: {  	(tag) =	ssettag $0x1  }
0x1: {  	s0 =	rddreg [dreg:$0x0]  }
0x2: {  	s3 =	rddreg [dreg:$0x1];
	_ =	strace $0x8000004A;
	s1 =	simm.s32 $0x1  }
0x3: {  	s4 =	simm.s32 $0x408;
	v0 =	vimm.s32 $0x0;
	[sflag:s1] =	ssyncpa.u1 $0x0  }
0x4: {  	[tilespmem:s4+$0x70] =	vst v0  }
0x5: {  	[tilespmem:s4+$0x60] =	vst v0  }
0x6: {  	[tilespmem:s4+$0x50] =	vst v0  }
0x7: {  	[tilespmem:s4+$0x40] =	vst v0  }
0x8: {  	[tilespmem:s4+$0x30] =	vst v0  }
0x9: {  	s1 =	sadd.s32 $0xA000, s0;
	s6 =	sadd.s32 $0x1736800, s0;
	[tilespmem:s4+$0x20] =	vst v0  }
0xa: {  	s2 =	sadd.s32 $0x5000, s0;
	s7 =	sand.u32 $0x1, s3;
	s3 =	simm.s32 $0x40;
	[tilespmem:s4+$0x10] =	vst v0  }
.LBB2_1:
0xb: {  	s3 =	sadd.s32 $0x40, s3;
	[tilespmem:s4+$0x0] =	vst v0;
	s4 =	sadd.s32 $0x80, s4  }
0xc: {  	p0 =	slt.u32 s3, $0x3100;
	[tilespmem:s4+$0x70] =	vst v0  }
0xd: {  	[tilespmem:s4+$0x60] =	vst v0  }
.Ltmp0:
0xe: {  	[tilespmem:s4+$0x50] =	vst v0;
	(pc) =	sbr.rel @p0 .LBB2_1-.Ltmp0, $4  }
0xf: {  	[tilespmem:s4+$0x40] =	vst v0  }
0x10: {  	[tilespmem:s4+$0x30] =	vst v0  }
0x11: {  	[tilespmem:s4+$0x20] =	vst v0  }
0x12: {  	[tilespmem:s4+$0x10] =	vst v0  }
0x13: {  	s10 =	stileid.u32  }
0x14: {  	s3 =	smul.u32 $0x68, s10  }
0x15: {  	s5 =	smin.u32 s10, $0x3  }
0x16: {  	s3 =	sor.u32 s5, s3  }
0x17: {  	p0 =	slt.u32 s10, $0x3;
	s11 =	smul.u32 $0x30, s3;
	s3 =	simm.s32 $0x13B0  }
0x18: {  	s3 =	simm.s32 @!p0 $0x1380  }
0x19: {  	s3 =	sadd.s32 s3, s11  }
0x1a: {  	s8 =	smin.u32 s3, $0x13880  }
0x1b: {  	s26 =	simm.s32 $0x2;
	s9 =	simm.s32 $0x9;
	s3 =	ssub.s32 s8, s11  }
0x1c: {  	s29 =	simm.s32 $0xA;
	s30 =	simm.s32 $0xB;
	p0 =	sgt.s32 s3, $0x0  }
0x1d: {  	[dreg:$0x4] =	wrdreg s7;
	s31 =	smul.u32 $0x2710, s7;
	s3 =	simm.s32 @!p0 $0x0  }
0x1e: {  	s12 =	simm.s32 $0x1;
	s24 =	simm.s32 $0x0;
	s25 =	smulhi.u32 $0x2AAAAAAB, s3  }
0x1f: {  	p1 =	por $0x0, $0x0;
	s18 =	simm.s32 $0x80;
	s19 =	simm.s32 $0x400  }
0x20: {  	s20 =	simm.s32 $0xC;
	s21 =	simm.s32 $0x0;
	s28 =	sshrl.u32 s25, $0x3  }
0x21: {  	[tilespmem:s4+$0x0] =	vst v0;
	v0 =	vimm.s32 $0xFFFFFFFF;
	s23 =	simm.s32 $0x0;
	[sflag:s26] =	ssyncpa.u1 $0x0;
	s5 =	smul.u32 $0x30, s28  }
0x22: {  	s16 =	sshll.u32 s10, $0xA;
	[tilespmem:$0xC808] =	vst v0;
	[sflag:s9] =	ssyncpa.u1 $0x0;
	s14 =	sadd.s32 s31, s2  }
.Ltmp1:
0x23: {  	p0 =	sne.s32 s3, s5;
	s3 =	simm.s32 $0x1;
	(pc) =	sbr.rel .LBB2_3-.Ltmp1, $4  }
0x24: {  	s15 =	sadd.s32 s31, s0;
	[dreg:$0x6] =	wrdreg s14;
	s3 =	simm.s32 @!p0 $0x0  }
0x25: {  	[sflag:s29] =	ssyncpa.u1 $0x0;
	[dreg:$0x7] =	wrdreg s15;
	s13 =	sadd.s32 s3, s28  }
0x26: {  	[sflag:s30] =	ssyncpa.u1 $0x0;
	s17 =	sadd.s32 $0x1, s13;
	[dreg:$0x5] =	wrdreg s13  }
0x27: {  	v0 =	vlaneseq.u32;
	s22 =	smov.u32 s11;
	p0 =	por $0x1, $0x1;
	[dreg:$0x8] =	wrdreg s17  }
.LBB2_30:
0x28: {  	s0 =	sshrl.u32 s0, $0x2  }
.LBB2_32:
0x29: {  	_ =	swait.ge [sflag:s20], s0  }
0x2a: {  	s30 =	ssub.s32 $0x0, s0;
	v1 =	vmov s26;
	vm0 =	veq.s32 v0, $0x0;
	[sflag:s20] =	ssyncset.done $0x0  }
0x2b: {  	vm15 =	veq.s32 v0, $0x2;
	v1 =	vsel vm0, s31, v1;
	[sflag:s20] =	ssyncadd.s32 s30  }
0x2c: {  	v1 =	vsel vm15, s24, v1;
	[sflag:s20] =	ssyncpa.u1 $0x1  }
0x2d: {  	[tilespmem:$0xC808] =	vst v1  }
.LBB2_33:
0x2e: {  	s0 =	sadd.s32 $0x30, s22  }
0x2f: {  	s2 =	smov.u32 s11;
	p2 =	slt.s32 s0, s8  }
0x30: {  	s2 =	smov.u32 @p2 s0;
	p2 =	sne.s32 s23, s17  }
.Ltmp2:
0x31: {  	_ = 	snop;
	(pc) =	sbr.rel @!p2 .LBB2_34-.Ltmp2, $4  }
0x32: {  	_ = 	snop  }
0x33: {  	s24 =	smov.u32 s21  }
0x34: {  	s31 =	sadd.s32 $0x1, s23;
	s21 =	smov.u32 s22;
	p0 =	por !p0, !p0  }
0x35: {  	p1 =	por !p1, !p1;
	s23 =	smov.u32 s31;
	s22 =	smov.u32 s2  }
.LBB2_3:
0x36: {  	p2 =	sge.u32 s23, s13  }
0x37: {  	s0 =	smulhi.u32 @!p2 $0xAAAAAAAB, s23  }
0x38: {  	s2 =	smov.u32 s22;
	p3 =	sgt.s32 @!p2 s22, $0x13850  }
0x39: {  	s3 =	sshra.s32 @!p2 s22, $0x1F;
	p3 =	por !p3, p2;
	s0 =	sshrl.u32 @!p2 s0, $0x1  }
0x3a: {  	s3 =	sand.u32 @!p2 s3, s22;
	s2 =	simm.s32 @p3 $0x13850;
	s0 =	smul.u32 @!p2 $0x3, s0  }
0x3b: {  	s2 =	ssub.s32 @!p2 s2, s3  }
0x3c: {  	s2 =	sadd.s32 @!p2 $0xFFFEC7B0, s2;
	s0 =	ssub.s32 @!p2 s23, s0  }
0x3d: {  	s3 =	sshll.u32 @!p2 s2, $0x2;
	p3 =	sgt.s32 @!p2 s2, $0x2F;
	s0 =	smul.u32 @!p2 $0xC0, s0  }
0x3e: {  	s4 =	sand.u32 @!p2 $0x7, s22;
	s2 =	ssub.s32 @!p2 $0xC0, s3;
	p3 =	por !p3, p2  }
0x3f: {  	s3 =	sshrl.u32 @!p2 s22, $0x3;
	s2 =	sshrl.u32 @!p2 s2, $0x2;
	s0 =	sshrl.u32 @!p2 s0, $0x2  }
0x40: {  	s3 =	sadd.s32 @!p2 s3, s14;
	s2 =	simm.s32 @!p3 $0x0;
	s0 =	sadd.s32 @!p2 $0x10848, s0  }
0x41: {  	[tilespmem:s0], [sflag:$0xA] =	stream.linear.gather @!p2 [hbm4b:s3+s4], s2, $0x38;
	[tilespmem:$0x1C938] =	vst v63  }
0x42: {  	s2 =	sadd.s32 $0xFFFFFFFF, s23  }
0x43: {  	p2 =	sge.u32 s2, s13  }
0x44: {  	p3 =	sgt.s32 @!p2 s21, $0x13850  }
0x45: {  	s0 =	smov.u32 s21;
	s3 =	sshra.s32 @!p2 s21, $0x1F;
	p3 =	por !p3, p2  }
0x46: {  	s3 =	sand.u32 @!p2 s3, s21;
	s0 =	simm.s32 @p3 $0x13850  }
0x47: {  	s0 =	ssub.s32 @!p2 s0, s3  }
0x48: {  	s0 =	sadd.s32 @!p2 $0xFFFEC7B0, s0  }
0x49: {  	s3 =	sshll.u32 @!p2 s0, $0x2  }
0x4a: {  	p3 =	sgt.s32 @!p2 s0, $0x2F;
	s0 =	ssub.s32 @!p2 $0xC0, s3  }
0x4b: {  	p3 =	por !p3, p2;
	s0 =	sshrl.u32 @!p2 s0, $0x2  }
0x4c: {  	s4 =	simm.s32 @!p2 $0xA;
	s3 =	sand.u32 @!p2 $0x1, s2;
	s0 =	simm.s32 @!p3 $0x0  }
0x4d: {  	s3 =	smul.u32 @!p2 $0xC0, s3;
	_ =	swait.ge @!p2 [sflag:s4], s0  }
0x4e: {  	s5 =	ssub.s32 @!p2 $0x0, s0;
	[sflag:s4] =	ssyncset.done @!p2 $0x0  }
0x4f: {  	s3 =	sshrl.u32 @!p2 s3, $0x2;
	[sflag:s4] =	ssyncadd.s32 @!p2 s5;
	s4 =	sshrl.u32 @!p2 s21, $0x3  }
0x50: {  	s3 =	sadd.s32 @!p2 $0x108D8, s3;
	s5 =	sand.u32 @!p2 $0x7, s21;
	s4 =	sadd.s32 @!p2 s4, s15  }
0x51: {  	[tilespmem:s3], [sflag:$0xB] =	stream.linear.gather @!p2 [hbm4b:s4+s5], s0, $0x38;
	[tilespmem:$0x1C938] =	vst v63  }
0x52: {  	s0 =	ssub.s32 @!p2 $0x13880, s21  }
0x53: {  	p3 =	slt.s32 @!p2 s0, $0x1  }
0x54: {  	p3 =	por p2, p3  }
.Ltmp3:
0x55: {  	_ = 	snop;
	(pc) =	sbr.rel @p3 .LBB2_9-.Ltmp3, $1  }
0x56: {  	_ =	sdelay $0x3  }
0x57: {  	s3 =	smulhi.u32 $0xAAAAAAAB, s2;
	_ =	sdelay $0x1  }
0x58: {  	s3 =	sshrl.u32 s3, $0x1  }
0x59: {  	s3 =	smul.u32 $0x3, s3;
	_ =	sdelay $0x1  }
0x5a: {  	s29 =	ssub.s32 s2, s3  }
0x5b: {  	s4 =	simm.s32 $0x1;
	s2 =	smul.u32 $0xC0, s29  }
.Ltmp4:
0x5c: {  	s4 =	simm.s32 @!p0 $0x0;
	(pc) =	sbr.rel .LBB2_6-.Ltmp4, $4  }
0x5d: {  	s30 =	smul.u32 $0x18000, s4  }
0x5e: {  	p3 =	slt.s32 @!p2 s0, $0x30;
	s2 =	sshrl.u32 s2, $0x2  }
0x5f: {  	p2 =	por !p3, p2;
	s3 =	sshrl.u32 s30, $0x2;
	s31 =	sadd.s32 $0x10848, s2  }
0x60: {  	s0 =	simm.s32 @p2 $0x30;
	s2 =	sor.u32 $0x10938, s3;
	s3 =	simm.s32 $0x0;
	v1 =	vmov s31  }
.LBB2_5:
0x61: {  	p2 =	sge.s32 s3, s0  }
.Ltmp5:
0x62: {  	_ = 	snop;
	(pc) =	sbr.rel @p2 .LBB2_9-.Ltmp5, $2  }
0x63: {  	_ =	sdelay $0x2  }
0x64: {  	s2 =	sadd.s32 $0x2000, s2  }
.LBB2_6:
0x65: {  	p2 =	sle.s32 s0, s3  }
.Ltmp6:
0x66: {  	_ = 	snop;
	(pc) =	sbr.rel @p2 .LBB2_5-.Ltmp6, $2  }
0x67: {  	_ =	sdelay $0x2  }
0x68: {  	s4 =	smov.u32 s3;
	s3 =	sadd.s32 $0x10, s3  }
0x69: {  	s5 =	ssub.s32 s0, s4  }
0x6a: {  	p2 =	slt.s32 s5, $0x10  }
0x6b: {  	s5 =	simm.s32 @!p2 $0x10  }
0x6c: {  	v2 =	vmov s5  }
0x6d: {  	vm0 =	vgt.s32 v2, v0;
	_ =	sdelay $0x5  }
0x6e: {  	v2 =	vld.idx.msk [tilespmem:v1+s4+$0x0 ss:$0x1], vm0;
	_ =	sdelay $0x2  }
0x6f: {  	p2 =	slt.s32 s3, s0;
	s5 =	smov.u32 s0  }
0x70: {  	s9 =	smov.u32 s2;
	s25 =	simm.s32 $0x0;
	s5 =	smov.u32 @p2 s3  }
.LBB2_8:
0x71: {  	(v2sf) =	vpush v2, s25;
	_ =	sdelay $0xe  }
0x72: {  	s25 =	sadd.s32 $0x1, s25;
	s10 =	spop (v2sf)  }
0x73: {  	s31 =	sadd.s32 s25, s4;
	s26 =	sshll.u32 s10, $0x9;
	s10 =	sshll.u32 s10, $0x7  }
0x74: {  	p2 =	slt.s32 s31, s5;
	s26 =	sand.u32 $0xFFFFF000, s26;
	s10 =	sand.u32 $0x380, s10  }
.Ltmp7:
0x75: {  	s10 =	sor.u32 s10, s26;
	(pc) =	sbr.rel @p2 .LBB2_8-.Ltmp7, $4  }
0x76: {  	s10 =	sshrl.u32 s10, $0x3  }
0x77: {  	s10 =	sadd.s32 s6, s10  }
0x78: {  	[tilespmem:s9], [sflag:$0x9] =	stream.strided.gather [hbm4b:s10+s18], $0x200, s19, s18, $0x38;
	[tilespmem:$0x1C938] =	vst v63  }
0x79: {  	s9 =	sadd.s32 $0x200, s9  }
.Ltmp8:
0x7a: {  	_ = 	snop;
	(pc) =	sbr.rel .LBB2_5-.Ltmp8, $1  }
0x7b: {  	_ =	sdelay $0x3  }
.LBB2_9:
0x7c: {  	p2 =	slt.u32 s23, $0x2  }
.Ltmp9:
0x7d: {  	_ = 	snop;
	(pc) =	sbr.rel @p2 .LBB2_33-.Ltmp9, $1  }
0x7e: {  	_ =	sdelay $0x3  }
0x7f: {  	p2 =	sgt.s32 s24, $0x13850  }
0x80: {  	s0 =	smov.u32 s24;
	s2 =	sshra.s32 s24, $0x1F;
	s3 =	ssub.s32 $0x13880, s24  }
0x81: {  	s0 =	simm.s32 @!p2 $0x13850;
	s2 =	sand.u32 s2, s24;
	p2 =	slt.s32 s3, $0x30  }
0x82: {  	s0 =	ssub.s32 s0, s2;
	s3 =	simm.s32 @!p2 $0x30  }
0x83: {  	s0 =	sadd.s32 $0xFFFEC7B0, s0;
	s25 =	sshll.u32 s3, $0x9  }
0x84: {  	s29 =	simm.s32 $0x9;
	s26 =	sshll.u32 s0, $0x2;
	s2 =	sand.u32 $0x3FFFFE00, s25  }
0x85: {  	p2 =	sgt.s32 s0, $0x2F;
	s28 =	ssub.s32 $0xC0, s26;
	_ =	swait.ge [sflag:s29], s2  }
0x86: {  	s2 =	ssub.s32 $0x0, s2;
	[sflag:s29] =	ssyncset.done $0x0;
	s0 =	sshrl.u32 s28, $0x2  }
0x87: {  	s30 =	simm.s32 $0xB;
	[sflag:s29] =	ssyncadd.s32 s2;
	s0 =	simm.s32 @p2 $0x0  }
0x88: {  	_ =	swait.ge [sflag:s30], s0  }
0x89: {  	s0 =	ssub.s32 $0x0, s0;
	[sflag:s30] =	ssyncset.done $0x0  }
0x8a: {  	[sflag:s30] =	ssyncadd.s32 s0  }
0x8b: {  	v1 =	vld [tilespmem:$0xC808];
	_ =	sdelay $0x4  }
0x8c: {  	(v2sf) =	vpush v1, $0x0  }
0x8d: {  	(v2sf) =	vpush v1, $0x1  }
0x8e: {  	(v2sf) =	vpush v1, $0x2;
	_ =	sdelay $0x3  }
0x8f: {  	s2 =	sadd.s32 $0x30, s24  }
0x90: {  	s3 =	ssub.s32 $0x27100, s24;
	p2 =	slt.s32 s8, s2  }
0x91: {  	s2 =	smov.u32 @p2 s8;
	p2 =	sgt.s32 s3, $0x0  }
0x92: {  	s25 =	ssub.s32 s2, s24;
	s3 =	simm.s32 @!p2 $0x0  }
0x93: {  	p2 =	slt.s32 s3, s25  }
0x94: {  	s25 =	smov.u32 @p2 s3  }
0x95: {  	s0 =	simm.s32 $0x1;
	p2 =	slt.s32 s25, $0x1  }
.Ltmp10:
0x96: {  	s0 =	simm.s32 @!p1 $0x0;
	(pc) =	sbr.rel @p2 .LBB2_14-.Ltmp10, $4  }
0x97: {  	s4 =	smul.u32 $0xC0, s0  }
0x98: {  	s2 =	spop (v2sf)  }
0x99: {  	s31 =	sshrl.u32 s4, $0x2;
	s5 =	spop (v2sf)  }
0x9a: {  	s4 =	sadd.s32 $0x108D8, s31;
	s24 =	spop (v2sf)  }
0x9b: {  	s3 =	smin.u32 s25, $0x10  }
0x9c: {  	v1 =	vmov s3  }
0x9d: {  	vm1 =	vgt.u32 v1, v0  }
0x9e: {  	p3 =	sgt.s32 s25, $0x10  }
.Ltmp11:
0x9f: {  	_ = 	snop;
	(pc) =	sbr.rel @!p3 .LBB2_13-.Ltmp11, $2  }
0xa0: {  	_ =	sdelay $0x2  }
0xa1: {  	s9 =	simm.s32 $0x10;
	s26 =	sadd.s32 $0xFFFFFFF0, s25;
	s3 =	smov.u32 s4;
	vm0 =	vmmov vm1;
	v1 =	vld.msk [tilespmem:s4+$0x0 ss:$0x1], vm1  }
.LBB2_12:
0xa2: {  	s10 =	smin.u32 s26, $0x10;
	s9 =	sadd.s32 $0x10, s9  }
0xa3: {  	v2 =	vmov s10;
	p3 =	slt.s32 s9, s25  }
0xa4: {  	vm1 =	vgt.u32 v2, v0;
	_ =	sdelay $0x1  }
0xa5: {  	v2 =	vshll.u32 v1, $0x6;
	v1 =	vshll.u32 v1, $0x4  }
.Ltmp12:
0xa6: {  	v2 =	vand.u32 $0xFFFFFE00, v2;
	v1 =	vand.u32 $0x70, v1;
	(pc) =	sbr.rel @p3 .LBB2_12-.Ltmp12, $4  }
0xa7: {  	v1 =	vor.u32 v1, v2  }
0xa8: {  	[tilespmem:s3+$0x0] =	vst.msk vm0, v1;
	s3 =	sadd.s32 $0x10, s3;
	vm0 =	vmmov vm1  }
0xa9: {  	v1 =	vld.msk [tilespmem:s3+$0x0 ss:$0x1], vm1  }
0xaa: {  	s26 =	sadd.s32 $0xFFFFFFF0, s26  }
.LBB2_13:
0xab: {  	_ =	sdelay $0x3  }
0xac: {  	v2 =	vshll.u32 v1, $0x6;
	v1 =	vshll.u32 v1, $0x4  }
0xad: {  	v2 =	vand.u32 $0xFFFFFE00, v2;
	v1 =	vand.u32 $0x70, v1  }
0xae: {  	v1 =	vor.u32 v1, v2  }
0xaf: {  	[tilespmem:s3+$0x0] =	vst.msk vm0, v1  }
.LBB2_14:
0xb0: {  	s3 =	sand.u32 $0x1, s23  }
0xb1: {  	s3 =	smul.u32 $0x30, s3  }
0xb2: {  	p3 =	sne.s32 s5, $0xFFFFFFFF  }
0xb3: {  	v1 =	vld.msk @!p3 [tilespmem:s3+$0x108D8], $0x1;
	_ =	sdelay $0x4  }
0xb4: {  	(v2sf) =	vpush @!p3 v1, $0x0;
	_ =	sdelay $0xc  }
.Ltmp13:
0xb5: {  	_ = 	snop;
	(pc) =	sbr.rel @p2 .LBB2_31-.Ltmp13, $4  }
0xb6: {  	_ = 	snop  }
0xb7: {  	s30 =	spop @!p3 (v2sf)  }
0xb8: {  	s24 =	simm.s32 @!p3 $0x0;
	s26 =	smov.u32 s30  }
0xb9: {  	[sflag:s20] =	ssyncpa.u1 $0x0;
	s30 =	smov.u32 @p3 s2;
	s26 =	smov.u32 @p3 s5  }
0xba: {  	v1 =	vld.msk [tilespmem:s4+$0x0], $0x1;
	_ =	sdelay $0x4  }
0xbb: {  	(v2sf) =	vpush v1, $0x0;
	_ =	sdelay $0xd  }
0xbc: {  	s0 =	smul.u32 $0x18000, s0  }
0xbd: {  	s13 =	smov.u32 s8;
	s8 =	smov.u32 s11;
	s5 =	spop (v2sf)  }
0xbe: {  	s2 =	ssub.s32 $0x0, s25;
	s0 =	sshrl.u32 s0, $0x2;
	p2 =	seq.s32 s30, s5  }
0xbf: {  	s29 =	simm.s32 $0x0;
	s28 =	sor.u32 $0x10938, s0;
	p3 =	sgt.s32 @!p2 s30, $0x0  }
0xc0: {  	s0 =	sadd.s32 $0x108D8, s3;
	s3 =	smov.u32 s30;
	p3 =	por !p3, p2  }
0xc1: {  	s4 =	sadd.s32 $0x1, s4;
	s31 =	sadd.s32 $0x1, s2;
	s3 =	simm.s32 @p3 $0x0  }
0xc2: {  	s2 =	simm.s32 @!p2 $0x1;
	s9 =	simm.s32 @!p2 $0x6608;
	s10 =	smin.u32 @!p2 s3, $0x9C270  }
0xc3: {  	p3 =	seq.s32 s31, $0x0;
	s3 =	sand.u32 @!p2 $0xFFFF8, s10;
	s11 =	sadd.s32 @!p2 $0x80, s10  }
0xc4: {  	s14 =	sadd.s32 @!p2 $0x100, s10;
	s15 =	sadd.s32 @!p2 s1, s3;
	s3 =	sand.u32 @!p2 $0x7, s10  }
0xc5: {  	s11 =	sand.u32 @!p2 $0x1FFFF8, s11;
	s14 =	sand.u32 @!p2 $0x1FFFF8, s14;
	s10 =	sadd.s32 @!p2 $0x180, s10  }
0xc6: {  	[tilespmem:s9], [sflag:$0x2] =	stream.linear.gather @!p2 [hbm4b:s15+s3], $0x80, $0x38;
	[tilespmem:$0x1C938] =	vst v63  }
.Ltmp14:
0xc7: {  	s9 =	simm.s32 @!p2 $0x6688;
	s11 =	sadd.s32 @!p2 s1, s11;
	(pc) =	sbr.rel @p3 .LBB2_17-.Ltmp14, $4  }
0xc8: {  	[tilespmem:s9], [sflag:$0x2] =	stream.linear.gather @!p2 [hbm4b:s11+s3], $0x80, $0x38;
	[tilespmem:$0x1C938] =	vst v63  }
0xc9: {  	s10 =	sand.u32 @!p2 $0x1FFFF8, s10;
	s9 =	simm.s32 @!p2 $0x6708;
	s11 =	sadd.s32 @!p2 s1, s14  }
0xca: {  	[tilespmem:s9], [sflag:$0x2] =	stream.linear.gather @!p2 [hbm4b:s11+s3], $0x80, $0x38;
	[tilespmem:$0x1C938] =	vst v63  }
0xcb: {  	s2 =	smov.u32 @p2 s29;
	s10 =	sadd.s32 @!p2 s1, s10;
	s9 =	simm.s32 @!p2 $0x6788  }
.LBB2_16:
0xcc: {  	s11 =	smov.u32 s2  }
0xcd: {  	[tilespmem:s9], [sflag:$0x2] =	stream.linear.gather @!p2 [hbm4b:s10+s3], $0x80, $0x38;
	[tilespmem:$0x1C938] =	vst v63  }
0xce: {  	s31 =	sadd.s32 $0x1, s31;
	s3 =	smov.u32 s5  }
0xcf: {  	p3 =	seq.s32 s31, $0x0;
	v1 =	vld.msk [tilespmem:s4+$0x0], $0x1;
	_ =	sdelay $0x4  }
0xd0: {  	(v2sf) =	vpush v1, $0x0;
	_ =	sdelay $0xe  }
0xd1: {  	s5 =	spop (v2sf)  }
0xd2: {  	p2 =	seq.s32 s3, s5  }
0xd3: {  	p4 =	sgt.s32 @!p2 s3, $0x0  }
0xd4: {  	s9 =	sshll.u32 @!p2 s2, $0xB;
	s2 =	sadd.s32 @!p2 $0x1, s2;
	p4 =	por !p4, p2  }
0xd5: {  	s9 =	sshra.s32 @!p2 s9, $0x2;
	s2 =	smov.u32 @p2 s11;
	s3 =	simm.s32 @p4 $0x0  }
0xd6: {  	s10 =	sadd.s32 @!p2 $0x6608, s9;
	s11 =	sadd.s32 @!p2 $0x6688, s9;
	s14 =	smin.u32 @!p2 s3, $0x9C270  }
0xd7: {  	s15 =	sadd.s32 @!p2 $0x6708, s9;
	s9 =	sadd.s32 @!p2 $0x6788, s9;
	s3 =	sand.u32 @!p2 $0xFFFF8, s14  }
0xd8: {  	s17 =	sadd.s32 @!p2 $0x80, s14;
	s7 =	sadd.s32 @!p2 $0x100, s14;
	s20 =	sadd.s32 @!p2 s1, s3  }
0xd9: {  	s3 =	sand.u32 @!p2 $0x7, s14;
	s17 =	sand.u32 @!p2 $0x1FFFF8, s17;
	s7 =	sand.u32 @!p2 $0x1FFFF8, s7  }
0xda: {  	[tilespmem:s10], [sflag:$0x2] =	stream.linear.gather @!p2 [hbm4b:s20+s3], $0x80, $0x38;
	[tilespmem:$0x1C938] =	vst v63  }
.Ltmp15:
0xdb: {  	s14 =	sadd.s32 @!p2 $0x180, s14;
	s10 =	sadd.s32 @!p2 s1, s17;
	(pc) =	sbr.rel @!p3 .LBB2_16-.Ltmp15, $4  }
0xdc: {  	[tilespmem:s11], [sflag:$0x2] =	stream.linear.gather @!p2 [hbm4b:s10+s3], $0x80, $0x38;
	[tilespmem:$0x1C938] =	vst v63  }
0xdd: {  	s7 =	sadd.s32 @!p2 s1, s7;
	s10 =	sand.u32 @!p2 $0x1FFFF8, s14  }
0xde: {  	[tilespmem:s15], [sflag:$0x2] =	stream.linear.gather @!p2 [hbm4b:s7+s3], $0x80, $0x38;
	[tilespmem:$0x1C938] =	vst v63  }
0xdf: {  	s4 =	sadd.s32 $0x1, s4;
	s10 =	sadd.s32 @!p2 s1, s10  }
.LBB2_17:
0xe0: {  	[tilespmem:s9], [sflag:$0x2] =	stream.linear.gather @!p2 [hbm4b:s10+s3], $0x80, $0x38;
	[tilespmem:$0x1C938] =	vst v63  }
0xe1: {  	s2 =	sshll.u32 s2, $0x9  }
0xe2: {  	s31 =	simm.s32 $0x2;
	s2 =	sand.u32 $0x3FFFFE00, s2  }
.Ltmp16:
0xe3: {  	_ =	swait.ge [sflag:s31], s2;
	(pc) =	sbr.rel .LBB2_18-.Ltmp16, $4  }
0xe4: {  	s11 =	smov.u32 s8;
	s8 =	smov.u32 s13;
	s13 =	rddreg [dreg:$0x5]  }
0xe5: {  	v1 =	vmov s0;
	s0 =	simm.s32 $0x0;
	s4 =	simm.s32 $0x0;
	s14 =	rddreg [dreg:$0x6]  }
0xe6: {  	s2 =	ssub.s32 $0x0, s2;
	[sflag:s31] =	ssyncset.done $0x0;
	s15 =	rddreg [dreg:$0x7]  }
0xe7: {  	s20 =	simm.s32 $0xC;
	s17 =	rddreg [dreg:$0x8];
	[sflag:s31] =	ssyncadd.s32 s2  }
.LBB2_28:
0xe8: {  	[tilespmem:s2+$0x0] =	vst v2;
	s29 =	sadd.s32 $0x1, s29  }
.LBB2_29:
0xe9: {  	s4 =	sadd.s32 $0x1, s4  }
0xea: {  	p2 =	sne.s32 s4, s25  }
.Ltmp17:
0xeb: {  	_ = 	snop;
	(pc) =	sbr.rel @!p2 .LBB2_30-.Ltmp17, $2  }
0xec: {  	_ =	sdelay $0x2  }
0xed: {  	s28 =	sadd.s32 $0x200, s28;
	s30 =	smov.u32 s31  }
.LBB2_18:
0xee: {  	_ =	sdelay $0x3  }
0xef: {  	v2 =	vld.idx.msk [tilespmem:v1+s4+$0x0 ss:$0x1], $0x1;
	_ =	sdelay $0x4  }
0xf0: {  	(v2sf) =	vpush v2, $0x0;
	_ =	sdelay $0xe  }
0xf1: {  	s31 =	spop (v2sf)  }
0xf2: {  	p2 =	sne.s32 s30, s31  }
.Ltmp18:
0xf3: {  	_ = 	snop;
	(pc) =	sbr.rel @p2 .LBB2_22-.Ltmp18, $3  }
0xf4: {  	_ =	sdelay $0x1  }
0xf5: {  	s2 =	sshll.u32 s24, $0xB  }
0xf6: {  	s2 =	sshra.s32 s2, $0x2  }
0xf7: {  	s2 =	sadd.s32 $0x408, s2;
	s3 =	simm.s32 $0x0;
	v2 =	vld [tilespmem:s28+$0x0];
	s5 =	smov.u32 s28  }
.LBB2_20:
0xf8: {  	s3 =	sadd.s32 $0x10, s3  }
0xf9: {  	p2 =	slt.u32 s3, $0x1F0  }
.Ltmp19:
0xfa: {  	_ = 	snop;
	(pc) =	sbr.rel @p2 .LBB2_20-.Ltmp19, $3  }
0xfb: {  	_ =	sdelay $0x1  }
0xfc: {  	s5 =	sadd.s32 $0x10, s5;
	[tilespmem:s2+$0x0] =	vst.add.f32.msk $0xffff, v2;
	s2 =	sadd.s32 $0x10, s2  }
0xfd: {  	v2 =	vld [tilespmem:s5+$0x0]  }
.Ltmp20:
0xfe: {  	_ = 	snop;
	(pc) =	sbr.rel .LBB2_29-.Ltmp20, $2  }
0xff: {  	_ =	sdelay $0x2  }
0x100: {  	[tilespmem:s2+$0x0] =	vst.add.f32.msk $0xffff, v2  }
.LBB2_22:
0x101: {  	p2 =	seq.s32 s30, s26  }
.Ltmp21:
0x102: {  	_ = 	snop;
	(pc) =	sbr.rel @!p2 .LBB2_23-.Ltmp21, $1  }
0x103: {  	_ =	sdelay $0x3  }
.Ltmp22:
0x104: {  	s2 =	sadd.s32 $0x408, s2;
	(pc) =	sbr.rel .LBB2_26-.Ltmp22, $4  }
0x105: {  	[spmem:s16] =	stream.linear.scatter [tilespmem:s2], [sflag:$0x1], $0x200, $0x38;
	[tilespmem:$0x1C938] =	vst v63  }
0x106: {  	_ =	swait.ge [sflag:s12], $0x200  }
0x107: {  	[sflag:s12] =	ssyncset.done $0x0  }
0x108: {  	[sflag:s12] =	ssyncadd.s32 $0xFFFFFE00  }
.LBB2_23:
0x109: {  	s3 =	sshll.u32 s29, $0xB  }
0x10a: {  	s3 =	sshra.s32 s3, $0x2  }
0x10b: {  	s5 =	sadd.s32 $0x6608, s3;
	s3 =	sadd.s32 $0x408, s2  }
0x10c: {  	s10 =	simm.s32 $0x0;
	v2 =	vld [tilespmem:s5+$0x0];
	s9 =	smov.u32 s3  }
.LBB2_24:
0x10d: {  	s10 =	sadd.s32 $0x10, s10  }
0x10e: {  	p2 =	slt.u32 s10, $0x1F0  }
.Ltmp23:
0x10f: {  	_ = 	snop;
	(pc) =	sbr.rel @p2 .LBB2_24-.Ltmp23, $3  }
0x110: {  	_ =	sdelay $0x1  }
0x111: {  	s5 =	sadd.s32 $0x10, s5;
	[tilespmem:s9+$0x0] =	vst.add.f32.msk $0xffff, v2;
	s9 =	sadd.s32 $0x10, s9  }
0x112: {  	v2 =	vld [tilespmem:s5+$0x0]  }
0x113: {  	_ =	sdelay $0x1  }
0x114: {  	p2 =	sgt.u32 s30, $0x9C270  }
0x115: {  	s5 =	sand.u32 @!p2 $0xFFFF8, s30  }
0x116: {  	s7 =	sand.u32 @!p2 $0x7, s30;
	s5 =	sadd.s32 @!p2 s1, s5;
	[tilespmem:s9+$0x0] =	vst.add.f32.msk $0xffff, v2  }
0x117: {  	[hbm4b:s5+s7] =	stream.linear.scatter @!p2 [tilespmem:s3], [sflag:$0xC], $0x80, $0x38;
	[tilespmem:$0x1C938] =	vst v63  }
0x118: {  	s3 =	sadd.s32 @!p2 $0x80, s30  }
0x119: {  	s3 =	sand.u32 @!p2 $0x1FFFF8, s3  }
0x11a: {  	s5 =	sadd.s32 @!p2 $0x488, s2;
	s3 =	sadd.s32 @!p2 s1, s3  }
0x11b: {  	[hbm4b:s3+s7] =	stream.linear.scatter @!p2 [tilespmem:s5], [sflag:$0xC], $0x80, $0x38;
	[tilespmem:$0x1C938] =	vst v63  }
0x11c: {  	s3 =	sadd.s32 @!p2 $0x100, s30  }
0x11d: {  	s3 =	sand.u32 @!p2 $0x1FFFF8, s3  }
0x11e: {  	s5 =	sadd.s32 @!p2 $0x508, s2;
	s3 =	sadd.s32 @!p2 s1, s3  }
0x11f: {  	[hbm4b:s3+s7] =	stream.linear.scatter @!p2 [tilespmem:s5], [sflag:$0xC], $0x80, $0x38;
	[tilespmem:$0x1C938] =	vst v63  }
0x120: {  	s3 =	sadd.s32 @!p2 $0x180, s30;
	s5 =	simm.s32 $0x0  }
0x121: {  	s3 =	sand.u32 @!p2 $0x1FFFF8, s3;
	s5 =	simm.s32 @!p2 $0x800  }
0x122: {  	s2 =	sadd.s32 @!p2 $0x588, s2;
	s3 =	sadd.s32 @!p2 s1, s3;
	s0 =	sadd.s32 s5, s0  }
0x123: {  	[hbm4b:s3+s7] =	stream.linear.scatter @!p2 [tilespmem:s2], [sflag:$0xC], $0x80, $0x38;
	[tilespmem:$0x1C938] =	vst v63  }
.LBB2_26:
0x124: {  	s2 =	sadd.s32 $0x1, s24  }
0x125: {  	s3 =	smulhi.u32 $0xAAAAAAAB, s2;
	_ =	sdelay $0x1  }
0x126: {  	s3 =	sshrl.u32 s3, $0x5  }
0x127: {  	s3 =	smul.u32 $0x30, s3;
	_ =	sdelay $0x1  }
0x128: {  	s24 =	ssub.s32 s2, s3  }
0x129: {  	s2 =	sshll.u32 s24, $0x9  }
0x12a: {  	v2 =	vld [tilespmem:s28+$0x0];
	s5 =	smov.u32 s28;
	s3 =	simm.s32 $0x0;
	s2 =	sadd.s32 $0x408, s2  }
.LBB2_27:
0x12b: {  	s3 =	sadd.s32 $0x10, s3  }
0x12c: {  	p2 =	slt.u32 s3, $0x1F0  }
.Ltmp24:
0x12d: {  	_ = 	snop;
	(pc) =	sbr.rel @p2 .LBB2_27-.Ltmp24, $3  }
0x12e: {  	_ =	sdelay $0x1  }
0x12f: {  	[tilespmem:s2+$0x0] =	vst v2;
	s2 =	sadd.s32 $0x10, s2;
	s5 =	sadd.s32 $0x10, s5  }
0x130: {  	v2 =	vld [tilespmem:s5+$0x0]  }
.Ltmp25:
0x131: {  	_ = 	snop;
	(pc) =	sbr.rel .LBB2_28-.Ltmp25, $1  }
0x132: {  	_ =	sdelay $0x3  }
.LBB2_31:
.Ltmp26:
0x133: {  	(pc) =	sbr.rel .LBB2_32-.Ltmp26, $4  }
0x134: {  	_ = 	snop  }
0x135: {  	s0 =	simm.s32 $0x2  }
0x136: {  	_ =	swait.ge [sflag:s0], $0x0  }
0x137: {  	s31 =	smov.u32 s30;
	[sflag:s0] =	ssyncset.done $0x0;
	s0 =	simm.s32 $0x0  }
.LBB2_34:
0x138: {  	_ =	sfence.sel $0x180000  }
0x139: {  	s0 =	simm.s32 $0x9;
	[bflag:$0x0] =	sbarrier.arrive $0xFFFF  }
0x13a: {  	s24 =	simm.s32 $0xA;
	[sflag:s0] =	ssyncpa.u1 $0x1  }
0x13b: {  	s25 =	simm.s32 $0xB;
	[sflag:s24] =	ssyncpa.u1 $0x1  }
0x13c: {  	s26 =	simm.s32 $0x2;
	[sflag:s25] =	ssyncpa.u1 $0x1  }
0x13d: {  	[sflag:s26] =	ssyncpa.u1 $0x1  }
0x13e: {  	v0 =	vld [tilespmem:$0xC808];
	_ =	sdelay $0x4  }
0x13f: {  	(v2sf) =	vpush v0, $0x0  }
0x140: {  	(v2sf) =	vpush v0, $0x1;
	_ =	sdelay $0x1  }
0x141: {  	(v2sf) =	vpush v0, $0x2;
	_ =	sdelay $0xb  }
0x142: {  	s0 =	spop (v2sf)  }
0x143: {  	s2 =	spop (v2sf)  }
0x144: {  	s3 =	smov.u32 s0;
	p0 =	sne.s32 s0, s2  }
0x145: {  	s4 =	spop (v2sf);
	s3 =	simm.s32 @!p0 $0xFFFFFFFF  }
0x146: {  	v2 =	vimm.s32 $0x1;
	v3 =	vlaneseq.u32;
	p0 =	seq.s32 s4, $0xFFFFFFFF;
	v1 =	vmov s3  }
0x147: {  	s17 =	stileid.u32;
	v0 =	vperm.xlane v0, v2;
	p1 =	sne.s32 @!p0 s0, s2;
	v1 =	vperm.xlane v1, v3  }
0x148: {  	vm0 =	vcmask $0x3F04;
	s6 =	simm.s32 $0xC808;
	s0 =	simm.s32 @!p0 $0x1;
	p1 =	por !p1, p0  }
0x149: {  	s3 =	sshll.u32 s17, $0x1;
	s2 =	sshll.u32 @!p0 s4, $0xB;
	s0 =	simm.s32 @p1 $0x0;
	v0 =	vsel vm0, v1, v0  }
0x14a: {  	s5 =	sor.u32 $0x4000, s3;
	s2 =	sshra.s32 @!p0 s2, $0x2;
	s0 =	sor.u32 @!p0 s0, s3;
	[tilespmem:$0xC808] =	vst v0  }
0x14b: {  	[spmem:s5] =	stream.linear.scatter [tilespmem:s6], [sflag:$0x1], $0x2, $0x38;
	[tilespmem:$0x1C938] =	vst v63  }
0x14c: {  	s2 =	sadd.s32 @!p0 $0x408, s2;
	s0 =	sshll.u32 @!p0 s0, $0x9  }
0x14d: {  	[spmem:s0] =	stream.linear.scatter @!p0 [tilespmem:s2], [sflag:$0x1], $0x200, $0x38;
	[tilespmem:$0x1C938] =	vst v63  }
0x14e: {  	s0 =	simm.s32 @!p0 $0x202  }
0x14f: {  	s28 =	simm.s32 $0x1;
	s0 =	simm.s32 @p0 $0x2  }
0x150: {  	_ =	swait.ge [sflag:s28], s0  }
0x151: {  	s0 =	ssub.s32 $0x0, s0;
	[sflag:s28] =	ssyncset.done $0x0  }
0x152: {  	p0 =	sne.s32 s17, $0x0;
	[sflag:s28] =	ssyncadd.s32 s0  }
.Ltmp27:
0x153: {  	_ =	sfence.stream.spmem;
	(pc) =	sbr.rel @p0 .LBB2_59-.Ltmp27, $4  }
0x154: {  	s29 =	simm.s32 $0x3;
	[bflag:$0x0] =	sbarrier.arrive $0xFFFF  }
0x155: {  	s30 =	simm.s32 $0x4;
	[sflag:s29] =	ssyncpa.u1 $0x1  }
0x156: {  	s31 =	simm.s32 $0x3C;
	[sflag:s30] =	ssyncpa.u1 $0x1  }
0x157: {  	s16 =	rddreg [dreg:$0x4];
	[sflag:s31] =	ssyncpa.u1 $0x1  }
0x158: {  	_ =	sfence.stream.spmem;
	s0 =	simm.s32 $0x5  }
0x159: {  	s2 =	simm.s32 $0x4000;
	s3 =	simm.s32 $0xC818;
	[sflag:s0] =	ssyncpa.u1 $0x0  }
0x15a: {  	[tilespmem:s3], [sflag:$0x5] =	stream.linear.gather [spmem:s2], $0x20, $0x38;
	[tilespmem:$0x1C938] =	vst v63  }
0x15b: {  	s26 =	simm.s32 $0x0;
	s28 =	simm.s32 $0xC838  }
0x15c: {  	[tilespmem:s28], [sflag:$0x5] =	stream.linear.gather [spmem:s26], $0x4000, $0x38;
	[tilespmem:$0x1C938] =	vst v63  }
0x15d: {  	_ =	swait.ge [sflag:s0], $0x4020  }
0x15e: {  	[sflag:s0] =	ssyncset.done $0x0  }
0x15f: {  	s29 =	simm.s32 $0x0;
	[sflag:s0] =	ssyncadd.s32 $0xFFFFBFE0  }
0x160: {  	v0 =	vld.msk [tilespmem:s29+$0xC818], $0x1;
	_ =	sdelay $0x1  }
0x161: {  	s30 =	simm.s32 $0x1  }
0x162: {  	v1 =	vld.msk [tilespmem:s30+$0xC818], $0x1;
	_ =	sdelay $0x1  }
0x163: {  	(v2sf) =	vpush v0, $0x0;
	_ =	sdelay $0x2  }
0x164: {  	(v2sf) =	vpush v1, $0x0;
	_ =	sdelay $0x2  }
0x165: {  	s31 =	simm.s32 $0x2  }
0x166: {  	v0 =	vld.msk [tilespmem:s31+$0xC818], $0x1;
	_ =	sdelay $0x2  }
0x167: {  	s2 =	simm.s32 $0xFFFFFFFF;
	s3 =	simm.s32 $0xFFFFFFFF;
	s0 =	simm.s32 $0xC  }
.LBB2_36:
0x168: {  	s4 =	smov.u32 s3;
	s5 =	smov.u32 s2  }
0x169: {  	s2 =	sshra.s32 s0, $0x2;
	p1 =	sne.s32 s0, $0x7C;
	s0 =	sadd.s32 $0x4, s0;
	(v2sf) =	vpush v0, $0x0  }
0x16a: {  	v0 =	vld.msk [tilespmem:s2+$0xC818], $0x1  }
.Ltmp28:
0x16b: {  	(pc) =	sbr.rel @p1 .LBB2_36-.Ltmp28, $4  }
0x16c: {  	s3 =	spop (v2sf)  }
0x16d: {  	p2 =	sne.s32 s5, $0xFFFFFFFF;
	s2 =	smov.u32 s3  }
0x16e: {  	p3 =	seq.s32 s3, $0xFFFFFFFF;
	s2 =	smov.u32 @p2 s5  }
0x16f: {  	s3 =	smov.u32 @p3 s4;
	s2 =	smov.u32 @p3 s5  }
0x170: {  	(v2sf) =	vpush v0, $0x0;
	_ =	sdelay $0x8  }
0x171: {  	s0 =	spop (v2sf);
	p1 =	sne.s32 s2, $0xFFFFFFFF;
	s9 =	simm.s32 $0x6  }
0x172: {  	s6 =	simm.s32 $0x0;
	s10 =	simm.s32 $0xC838;
	s4 =	smov.u32 s0  }
0x173: {  	s11 =	simm.s32 $0xC688;
	p2 =	seq.s32 s0, $0xFFFFFFFF;
	s4 =	smov.u32 @p1 s2  }
0x174: {  	s12 =	simm.s32 $0xC708;
	s4 =	smov.u32 @p2 s2;
	s2 =	spop (v2sf)  }
0x175: {  	s0 =	smov.u32 @p2 s3;
	p1 =	sne.s32 s4, $0xFFFFFFFF;
	s5 =	smov.u32 s2  }
.Ltmp29:
0x176: {  	p2 =	seq.s32 s2, $0xFFFFFFFF;
	s5 =	smov.u32 @p1 s4;
	(pc) =	sbr.rel .LBB2_38-.Ltmp29, $4  }
0x177: {  	s13 =	simm.s32 $0xC788;
	s5 =	smov.u32 @p2 s4;
	s7 =	spop (v2sf)  }
0x178: {  	s14 =	simm.s32 $0x0;
	p1 =	sne.s32 s5, $0xFFFFFFFF;
	s8 =	smov.u32 s7  }
0x179: {  	s2 =	smov.u32 @p2 s0;
	p2 =	seq.s32 s7, $0xFFFFFFFF;
	s8 =	smov.u32 @p1 s5  }
0x17a: {  	[sflag:s9] =	ssyncpa.u1 $0x0;
	s7 =	smov.u32 @p2 s2;
	s8 =	smov.u32 @p2 s5  }
.LBB2_53:
0x17b: {  	s14 =	sadd.s32 $0x1, s14  }
0x17c: {  	p1 =	sne.s32 s14, $0x20  }
.Ltmp30:
0x17d: {  	_ = 	snop;
	(pc) =	sbr.rel @!p1 .LBB2_54-.Ltmp30, $2  }
0x17e: {  	_ =	sdelay $0x2  }
0x17f: {  	s10 =	sadd.s32 $0x200, s10  }
.LBB2_38:
0x180: {  	v0 =	vld.msk [tilespmem:s14+$0xC818], $0x1;
	_ =	sdelay $0x4  }
0x181: {  	(v2sf) =	vpush v0, $0x0;
	_ =	sdelay $0xe  }
0x182: {  	s0 =	spop (v2sf)  }
0x183: {  	p1 =	seq.s32 s0, $0xFFFFFFFF  }
.Ltmp31:
0x184: {  	_ = 	snop;
	(pc) =	sbr.rel @p1 .LBB2_53-.Ltmp31, $1  }
0x185: {  	_ =	sdelay $0x3  }
0x186: {  	p1 =	slt.s32 s6, $0x1  }
.Ltmp32:
0x187: {  	_ = 	snop;
	(pc) =	sbr.rel @p1 .LBB2_46-.Ltmp32, $1  }
0x188: {  	_ =	sdelay $0x3  }
0x189: {  	s2 =	simm.s32 $0xC818;
	p1 =	por $0x0, $0x0  }
0x18a: {  	v1 =	vld.msk @!p1 [tilespmem:s2+$0x0], $0x1;
	_ =	sdelay $0x4  }
0x18b: {  	(v2sf) =	vpush @!p1 v1, $0x0;
	_ =	sdelay $0xd  }
0x18c: {  	p3 =	sne.s32 s6, $0x1  }
.Ltmp33:
0x18d: {  	s3 =	spop @!p1 (v2sf);
	(pc) =	sbr.rel @!p3 .LBB2_42-.Ltmp33, $4  }
0x18e: {  	p2 =	seq.s32 @!p1 s0, s3  }
0x18f: {  	s4 =	simm.s32 $0x0;
	p2 =	por !p2, p1  }
0x190: {  	s3 =	simm.s32 $0xFFFFFFFF;
	s4 =	simm.s32 @p2 $0xFFFFFFFF  }
0x191: {  	s5 =	simm.s32 $0x1;
	s4 =	smov.u32 @p1 s3  }
.LBB2_41:
0x192: {  	s3 =	smov.u32 s4;
	p1 =	sne.s32 s4, $0xFFFFFFFF  }
0x193: {  	s2 =	sadd.s32 $0x1, s2;
	s4 =	smov.u32 s5;
	s5 =	sadd.s32 $0x1, s5  }
0x194: {  	p2 =	sne.s32 s6, s5;
	v1 =	vld.msk @!p1 [tilespmem:s2+$0x0], $0x1;
	_ =	sdelay $0x4  }
0x195: {  	(v2sf) =	vpush @!p1 v1, $0x0;
	_ =	sdelay $0xe  }
.Ltmp34:
0x196: {  	s15 =	spop @!p1 (v2sf);
	(pc) =	sbr.rel @p2 .LBB2_41-.Ltmp34, $4  }
0x197: {  	p3 =	seq.s32 @!p1 s0, s15  }
0x198: {  	p3 =	por !p3, p1  }
0x199: {  	s4 =	simm.s32 @p3 $0xFFFFFFFF  }
0x19a: {  	s4 =	smov.u32 @p1 s3  }
.LBB2_42:
0x19b: {  	p1 =	seq.s32 s4, $0xFFFFFFFF  }
.Ltmp35:
0x19c: {  	_ = 	snop;
	(pc) =	sbr.rel @p1 .LBB2_46-.Ltmp35, $1  }
0x19d: {  	_ =	sdelay $0x3  }
0x19e: {  	s0 =	sshll.u32 s4, $0xB  }
0x19f: {  	s0 =	sshra.s32 s0, $0x2  }
0x1a0: {  	s2 =	simm.s32 $0x0;
	v0 =	vld [tilespmem:s10+$0x0];
	s3 =	smov.u32 s10;
	s0 =	sadd.s32 $0xC838, s0  }
.LBB2_44:
0x1a1: {  	s2 =	sadd.s32 $0x10, s2  }
0x1a2: {  	p1 =	slt.u32 s2, $0x1F0  }
.Ltmp36:
0x1a3: {  	_ = 	snop;
	(pc) =	sbr.rel @p1 .LBB2_44-.Ltmp36, $3  }
0x1a4: {  	_ =	sdelay $0x1  }
0x1a5: {  	s3 =	sadd.s32 $0x10, s3;
	[tilespmem:s0+$0x0] =	vst.add.f32.msk $0xffff, v0;
	s0 =	sadd.s32 $0x10, s0  }
0x1a6: {  	v0 =	vld [tilespmem:s3+$0x0]  }
.Ltmp37:
0x1a7: {  	_ = 	snop;
	(pc) =	sbr.rel .LBB2_53-.Ltmp37, $2  }
0x1a8: {  	_ =	sdelay $0x2  }
0x1a9: {  	[tilespmem:s0+$0x0] =	vst.add.f32.msk $0xffff, v0  }
.LBB2_46:
0x1aa: {  	p1 =	sgt.u32 s0, $0x9C270  }
0x1ab: {  	p2 =	seq.s32 @!p1 s0, s8  }
0x1ac: {  	p1 =	por p1, p2  }
0x1ad: {  	p2 =	seq.s32 @!p1 s0, s7  }
0x1ae: {  	p1 =	por p1, p2  }
.Ltmp38:
0x1af: {  	_ = 	snop;
	(pc) =	sbr.rel @p1 .LBB2_50-.Ltmp38, $1  }
0x1b0: {  	_ =	sdelay $0x3  }
0x1b1: {  	s2 =	sand.u32 $0xFFFF8, s0;
	s4 =	sand.u32 $0x7, s0  }
0x1b2: {  	s29 =	sadd.s32 $0x80, s0;
	s3 =	sadd.s32 s1, s2;
	s2 =	simm.s32 $0xC608  }
0x1b3: {  	[tilespmem:s2], [sflag:$0x6] =	stream.linear.gather [hbm4b:s3+s4], $0x80, $0x38;
	[tilespmem:$0x1C938] =	vst v63  }
0x1b4: {  	s3 =	sand.u32 $0x1FFFF8, s29  }
0x1b5: {  	s30 =	sadd.s32 $0x100, s0;
	s3 =	sadd.s32 s1, s3  }
0x1b6: {  	[tilespmem:s11], [sflag:$0x6] =	stream.linear.gather [hbm4b:s3+s4], $0x80, $0x38;
	[tilespmem:$0x1C938] =	vst v63  }
0x1b7: {  	s31 =	sadd.s32 $0x180, s0;
	s3 =	sand.u32 $0x1FFFF8, s30  }
0x1b8: {  	s0 =	sand.u32 $0x1FFFF8, s31;
	s3 =	sadd.s32 s1, s3  }
0x1b9: {  	[tilespmem:s12], [sflag:$0x6] =	stream.linear.gather [hbm4b:s3+s4], $0x80, $0x38;
	[tilespmem:$0x1C938] =	vst v63  }
0x1ba: {  	s0 =	sadd.s32 s1, s0  }
0x1bb: {  	[tilespmem:s13], [sflag:$0x6] =	stream.linear.gather [hbm4b:s0+s4], $0x80, $0x38;
	[tilespmem:$0x1C938] =	vst v63  }
0x1bc: {  	_ =	swait.ge [sflag:s9], $0x200  }
0x1bd: {  	[sflag:s9] =	ssyncset.done $0x0  }
0x1be: {  	[sflag:s9] =	ssyncadd.s32 $0xFFFFFE00  }
0x1bf: {  	s3 =	smov.u32 s10;
	s0 =	simm.s32 $0x0;
	v1 =	vld [tilespmem:s2+$0x0]  }
.LBB2_48:
0x1c0: {  	s0 =	sadd.s32 $0x10, s0  }
0x1c1: {  	p1 =	slt.u32 s0, $0x1F0  }
.Ltmp39:
0x1c2: {  	_ = 	snop;
	(pc) =	sbr.rel @p1 .LBB2_48-.Ltmp39, $3  }
0x1c3: {  	_ =	sdelay $0x1  }
0x1c4: {  	s2 =	sadd.s32 $0x10, s2;
	[tilespmem:s3+$0x0] =	vst.add.f32.msk $0xffff, v1;
	s3 =	sadd.s32 $0x10, s3  }
0x1c5: {  	v1 =	vld [tilespmem:s2+$0x0]  }
0x1c6: {  	_ =	sdelay $0x3  }
0x1c7: {  	[tilespmem:s3+$0x0] =	vst.add.f32.msk $0xffff, v1  }
.LBB2_50:
0x1c8: {  	s0 =	sshll.u32 s6, $0xB  }
0x1c9: {  	[tilespmem:s6+$0xC818] =	vst.msk $0x1, v0;
	s0 =	sshra.s32 s0, $0x2  }
0x1ca: {  	s2 =	simm.s32 $0x0;
	s3 =	smov.u32 s10;
	v0 =	vld [tilespmem:s10+$0x0];
	s0 =	sadd.s32 $0xC838, s0  }
.LBB2_51:
0x1cb: {  	s2 =	sadd.s32 $0x10, s2  }
0x1cc: {  	p1 =	slt.u32 s2, $0x1F0  }
.Ltmp40:
0x1cd: {  	_ = 	snop;
	(pc) =	sbr.rel @p1 .LBB2_51-.Ltmp40, $3  }
0x1ce: {  	_ =	sdelay $0x1  }
0x1cf: {  	s3 =	sadd.s32 $0x10, s3;
	[tilespmem:s0+$0x0] =	vst v0;
	s0 =	sadd.s32 $0x10, s0  }
0x1d0: {  	v0 =	vld [tilespmem:s3+$0x0]  }
.Ltmp41:
0x1d1: {  	_ = 	snop;
	(pc) =	sbr.rel .LBB2_53-.Ltmp41, $2  }
0x1d2: {  	_ =	sdelay $0x2  }
0x1d3: {  	s6 =	sadd.s32 $0x1, s6;
	[tilespmem:s0+$0x0] =	vst v0  }
.LBB2_54:
0x1d4: {  	s0 =	simm.s32 $0x6;
	p1 =	seq.s32 s6, $0x0  }
0x1d5: {  	[sflag:s0] =	ssyncpa.u1 $0x1;
	v0 =	vimm.s32 @p1 $0xFFFFFFFF  }
0x1d6: {  	s0 =	sadd.s32 $0xFFFFFFFF, s6;
	[tilespmem:$0x10838] =	vst @p1 v0  }
0x1d7: {  	v0 =	vld.msk @!p1 [tilespmem:s0+$0xC818], $0x1;
	_ =	sdelay $0x1  }
0x1d8: {  	v1 =	vld.msk @!p1 [tilespmem:$0xC818], $0x1;
	_ =	sdelay $0x2  }
0x1d9: {  	p2 =	seq.s32 @!p1 s0, $0x0;
	v0 =	vbroadcast @!p1 v0, $0x0  }
0x1da: {  	vm0 =	vmmov @!p1 $0x1;
	p2 =	por !p2, p1  }
0x1db: {  	v1 =	vnsel @!p1 vm0, $0xFFFFFFFF, v1;
	vm0 =	vcmask @!p1 $0x308;
	v0 =	vpsel !p2, $0xFFFFFFFF, v0  }
0x1dc: {  	p2 =	sne.s32 @!p1 s8, s7;
	v0 =	vsel @!p1 vm0, v1, v0  }
0x1dd: {  	s2 =	simm.s32 @!p1 $0xC838;
	s3 =	simm.s32 @!p1 $0x0;
	p3 =	por !p2, p1;
	[tilespmem:$0x10838] =	vst @!p1 v0  }
0x1de: {  	[spmem:s3] =	stream.linear.scatter @!p1 [tilespmem:s2], [sflag:$0x1], $0x200, $0x38;
	[tilespmem:$0x1C938] =	vst v63  }
0x1df: {  	s2 =	sshll.u32 @!p3 s0, $0xB  }
0x1e0: {  	s2 =	sshra.s32 @!p3 s2, $0x2  }
0x1e1: {  	s3 =	simm.s32 @!p3 $0x200;
	s2 =	sadd.s32 @!p3 $0xC838, s2  }
0x1e2: {  	[spmem:s3] =	stream.linear.scatter @!p3 [tilespmem:s2], [sflag:$0x1], $0x200, $0x38;
	[tilespmem:$0x1C938] =	vst v63  }
0x1e3: {  	s2 =	simm.s32 @!p3 $0x1  }
0x1e4: {  	_ =	swait.ge @!p3 [sflag:s2], $0x400  }
0x1e5: {  	p1 =	por p2, p1;
	[sflag:s2] =	ssyncset.done @!p3 $0x0  }
0x1e6: {  	[sflag:s2] =	ssyncadd.s32 @!p3 $0xFFFFFC00;
	s2 =	simm.s32 @!p1 $0x1  }
0x1e7: {  	_ =	swait.ge @!p1 [sflag:s2], $0x200  }
0x1e8: {  	s29 =	simm.s32 $0x10838;
	[sflag:s2] =	ssyncset.done @!p1 $0x0  }
0x1e9: {  	s30 =	simm.s32 $0x4000;
	s31 =	simm.s32 $0x1;
	[sflag:s2] =	ssyncadd.s32 @!p1 $0xFFFFFE00  }
0x1ea: {  	[spmem:s30] =	stream.linear.scatter [tilespmem:s29], [sflag:$0x1], $0x10, $0x38;
	[tilespmem:$0x1C938] =	vst v63  }
0x1eb: {  	_ =	swait.ge [sflag:s31], $0x10  }
0x1ec: {  	[sflag:s31] =	ssyncset.done $0x0  }
0x1ed: {  	p1 =	seq.s32 s16, $0x0;
	s9 =	rddreg [dreg:$0x1];
	[sflag:s31] =	ssyncadd.s32 $0xFFFFFFF0  }
0x1ee: {  	s3 =	sshll.u32 @p1 s9, $0xE;
	s8 =	rddreg [dreg:$0x2]  }
0x1ef: {  	s2 =	sadd.s32 @p1 $0x15C3C, s3;
	s3 =	sshll.u32 @p1 s8, $0x11  }
0x1f0: {  	_ =	sfence.stream.spmem;
	s2 =	sor.u32 @p1 s3, s2  }
0x1f1: {  	[sflag:s2] =	ssyncadd.remote.s32 @p1 $0x1;
	s2 =	simm.s32 @p1 $0x4  }
0x1f2: {  	s4 =	simm.s32 @!p1 $0x3C;
	s3 =	sand.u32 $0xFFFFFFFE, s9;
	_ =	swait.ge @p1 [sflag:s2], $0x82  }
0x1f3: {  	s5 =	simm.s32 @!p1 $0x0;
	s3 =	sadd.s32 @!p1 $0x4, s3;
	[sflag:s2] =	ssyncset.done @p1 $0x0  }
0x1f4: {  	s7 =	simm.s32 @!p1 $0x400;
	[sflag:s2] =	ssyncadd.s32 @p1 $0xFFFFFF7E;
	s2 =	sshll.u32 @!p1 s3, $0x1A  }
0x1f5: {  	s3 =	sshll.u32 @!p1 s3, $0xD;
	s2 =	sor.u32 @!p1 s2, s8;
	_ =	swait.eq @!p1 [sflag:s4], $0x1  }
0x1f6: {  	s3 =	sor.u32 @!p1 $0x1C04, s3;
	s4 =	simm.s32 @!p1 $0x1C03;
	s2 =	sor.u32 @!p1 $0x80004000, s2  }
0x1f7: {  	[spmem:s7], [sflag:s3] =	dma.general @!p1 [spmem:s5], [sflag:s4], length:$0x80, [dreg:$0x0], stride_count:$0x0, ici_dest:s2, dma_misc:DstOpCode:WRITE  }
0x1f8: {  	p2 =	slt.s32 s0, $0x2;
	s5 =	simm.s32 @!p1 $0x800;
	s7 =	simm.s32 @!p1 $0x802  }
0x1f9: {  	[spmem:s7], [sflag:s3] =	dma.general @!p1 [spmem:s5], [sflag:s4], length:$0x2, [dreg:$0x0], stride_count:$0x0, ici_dest:s2, dma_misc:DstOpCode:WRITE  }
.Ltmp42:
0x1fa: {  	s2 =	simm.s32 @!p1 $0x3;
	(pc) =	sbr.rel @p2 .LBB2_58-.Ltmp42, $4  }
0x1fb: {  	s3 =	sshll.u32 @!p1 s9, $0xE;
	_ =	swait.ge @!p1 [sflag:s2], $0x82  }
0x1fc: {  	s4 =	sshll.u32 @!p1 s8, $0x11;
	s3 =	sadd.s32 @!p1 $0x11C3C, s3;
	[sflag:s2] =	ssyncset.done @!p1 $0x0  }
0x1fd: {  	[sflag:s2] =	ssyncadd.s32 @!p1 $0xFFFFFF7E;
	s2 =	sor.u32 @!p1 s4, s3  }
0x1fe: {  	s0 =	simm.s32 $0x0;
	[sflag:s2] =	ssyncadd.remote.s32 @!p1 $0xFFFFFFFF  }
0x1ff: {  	s0 =	simm.s32 $0xC819  }
0x200: {  	v0 =	vld.msk [tilespmem:s0+$0x0], $0x1;
	_ =	sdelay $0x4  }
0x201: {  	(v2sf) =	vpush v0, $0x0;
	_ =	sdelay $0xe  }
0x202: {  	s2 =	sadd.s32 $0xFFFFFFFE, s6;
	s3 =	spop (v2sf)  }
0x203: {  	s5 =	simm.s32 $0xCA38;
	s4 =	sadd.s32 $0xFFFFFFFF, s2;
	p1 =	sgt.u32 s3, $0x9C270  }
0x204: {  	s0 =	simm.s32 $0x0;
	p2 =	sne.s32 s4, $0x0;
	s2 =	sand.u32 @!p1 $0xFFFF8, s3  }
0x205: {  	s6 =	sadd.s32 @!p1 $0x80, s3;
	s7 =	sadd.s32 @!p1 $0x100, s3;
	s8 =	sadd.s32 @!p1 s1, s2  }
0x206: {  	s2 =	sand.u32 @!p1 $0x7, s3;
	s6 =	sand.u32 @!p1 $0x1FFFF8, s6;
	s7 =	sand.u32 @!p1 $0x1FFFF8, s7  }
0x207: {  	[hbm4b:s8+s2] =	stream.linear.scatter @!p1 [tilespmem:s5], [sflag:$0x5], $0x80, $0x38;
	[tilespmem:$0x1C938] =	vst v63  }
0x208: {  	s5 =	simm.s32 @!p1 $0xCAB8;
	s6 =	sadd.s32 @!p1 s1, s6;
	s7 =	sadd.s32 @!p1 s1, s7  }
.Ltmp43:
0x209: {  	s8 =	sadd.s32 @!p1 $0x180, s3;
	s3 =	simm.s32 $0x0;
	(pc) =	sbr.rel @!p2 .LBB2_57-.Ltmp43, $4  }
0x20a: {  	[hbm4b:s6+s2] =	stream.linear.scatter @!p1 [tilespmem:s5], [sflag:$0x5], $0x80, $0x38;
	[tilespmem:$0x1C938] =	vst v63  }
0x20b: {  	s3 =	simm.s32 @!p1 $0x800;
	s8 =	sand.u32 @!p1 $0x1FFFF8, s8;
	s6 =	simm.s32 @!p1 $0xCB38  }
0x20c: {  	[hbm4b:s7+s2] =	stream.linear.scatter @!p1 [tilespmem:s6], [sflag:$0x5], $0x80, $0x38;
	[tilespmem:$0x1C938] =	vst v63  }
0x20d: {  	s5 =	simm.s32 $0xC81A;
	s6 =	simm.s32 $0xCC38;
	s7 =	simm.s32 @!p1 $0xCBB8  }
.LBB2_56:
0x20e: {  	s4 =	sadd.s32 $0xFFFFFFFF, s4;
	s8 =	sadd.s32 @!p1 s1, s8;
	s0 =	sadd.s32 s0, s3  }
0x20f: {  	[hbm4b:s8+s2] =	stream.linear.scatter @!p1 [tilespmem:s7], [sflag:$0x5], $0x80, $0x38;
	[tilespmem:$0x1C938] =	vst v63  }
0x210: {  	p2 =	sne.s32 s4, $0x0;
	s7 =	smov.u32 s6;
	v0 =	vld.msk [tilespmem:s5+$0x0], $0x1;
	_ =	sdelay $0x4  }
0x211: {  	(v2sf) =	vpush v0, $0x0;
	_ =	sdelay $0xe  }
0x212: {  	s3 =	spop (v2sf)  }
0x213: {  	s6 =	sadd.s32 $0x200, s6;
	s5 =	sadd.s32 $0x1, s5;
	p1 =	sgt.u32 s3, $0x9C270  }
0x214: {  	s2 =	sand.u32 @!p1 $0xFFFF8, s3;
	s8 =	sadd.s32 @!p1 $0x80, s3;
	s9 =	sadd.s32 @!p1 $0x100, s3  }
0x215: {  	s10 =	sadd.s32 @!p1 s1, s2;
	s2 =	sand.u32 @!p1 $0x7, s3;
	s8 =	sand.u32 @!p1 $0x1FFFF8, s8  }
0x216: {  	[hbm4b:s10+s2] =	stream.linear.scatter @!p1 [tilespmem:s7], [sflag:$0x5], $0x80, $0x38;
	[tilespmem:$0x1C938] =	vst v63  }
0x217: {  	s9 =	sand.u32 @!p1 $0x1FFFF8, s9;
	s10 =	sadd.s32 @!p1 $0x80, s7  }
.Ltmp44:
0x218: {  	s8 =	sadd.s32 @!p1 s1, s8;
	s9 =	sadd.s32 @!p1 s1, s9;
	(pc) =	sbr.rel @p2 .LBB2_56-.Ltmp44, $4  }
0x219: {  	[hbm4b:s8+s2] =	stream.linear.scatter @!p1 [tilespmem:s10], [sflag:$0x5], $0x80, $0x38;
	[tilespmem:$0x1C938] =	vst v63  }
0x21a: {  	s8 =	sadd.s32 @!p1 $0x100, s7;
	s10 =	sadd.s32 @!p1 $0x180, s3;
	s3 =	simm.s32 $0x0  }
0x21b: {  	[hbm4b:s9+s2] =	stream.linear.scatter @!p1 [tilespmem:s8], [sflag:$0x5], $0x80, $0x38;
	[tilespmem:$0x1C938] =	vst v63  }
0x21c: {  	s7 =	sadd.s32 @!p1 $0x180, s7;
	s3 =	simm.s32 @!p1 $0x800;
	s8 =	sand.u32 @!p1 $0x1FFFF8, s10  }
.LBB2_57:
0x21d: {  	s4 =	sadd.s32 @!p1 s1, s8;
	s0 =	sadd.s32 s0, s3  }
0x21e: {  	[hbm4b:s4+s2] =	stream.linear.scatter @!p1 [tilespmem:s7], [sflag:$0x5], $0x80, $0x38;
	[tilespmem:$0x1C938] =	vst v63  }
0x21f: {  	s0 =	sshrl.u32 s0, $0x2  }
.LBB2_58:
0x220: {  	s2 =	simm.s32 $0x5  }
0x221: {  	_ =	swait.ge [sflag:s2], s0  }
0x222: {  	s31 =	ssub.s32 $0x0, s0;
	[sflag:s2] =	ssyncset.done $0x0  }
0x223: {  	[sflag:s2] =	ssyncadd.s32 s31  }
0x224: {  	[sflag:s2] =	ssyncpa.u1 $0x1  }
.LBB2_59:
0x225: {  	s0 =	sor.u32 s16, s17  }
0x226: {  	p1 =	sne.s32 s0, $0x0  }
.Ltmp45:
0x227: {  	_ = 	snop;
	(pc) =	sbr.rel @p1 .LBB2_82-.Ltmp45, $3  }
0x228: {  	_ =	sdelay $0x1  }
0x229: {  	[bflag:$0x0] =	sbarrier.arrive $0xFFFF  }
0x22a: {  	_ =	sfence  }
0x22b: {  	s0 =	simm.s32 $0x7  }
0x22c: {  	s2 =	simm.s32 $0x4000;
	s3 =	simm.s32 $0xC818;
	[sflag:s0] =	ssyncpa.u1 $0x0  }
0x22d: {  	[tilespmem:s3], [sflag:$0x7] =	stream.linear.gather [spmem:s2], $0x20, $0x38;
	[tilespmem:$0x1C938] =	vst v63  }
0x22e: {  	s2 =	simm.s32 $0x0;
	s3 =	simm.s32 $0xC838  }
0x22f: {  	[tilespmem:s3], [sflag:$0x7] =	stream.linear.gather [spmem:s2], $0x4000, $0x38;
	[tilespmem:$0x1C938] =	vst v63  }
.Ltmp46:
0x230: {  	_ = 	snop;
	(pc) =	sbr.rel .LBB2_61-.Ltmp46, $4  }
0x231: {  	_ =	swait.ge [sflag:s0], $0x4020  }
0x232: {  	s4 =	simm.s32 $0x8;
	[sflag:s0] =	ssyncset.done $0x0  }
0x233: {  	s5 =	simm.s32 $0xC688;
	s6 =	simm.s32 $0xC708;
	[sflag:s0] =	ssyncadd.s32 $0xFFFFBFE0  }
0x234: {  	s7 =	simm.s32 $0xC788;
	s8 =	simm.s32 $0x0;
	[sflag:s4] =	ssyncpa.u1 $0x0  }
.LBB2_76:
0x235: {  	s8 =	sadd.s32 $0x1, s8  }
0x236: {  	p1 =	sne.s32 s8, $0x20  }
.Ltmp47:
0x237: {  	_ = 	snop;
	(pc) =	sbr.rel @!p1 .LBB2_77-.Ltmp47, $2  }
0x238: {  	_ =	sdelay $0x2  }
0x239: {  	s3 =	sadd.s32 $0x200, s3  }
.LBB2_61:
0x23a: {  	v0 =	vld.msk [tilespmem:s8+$0xC818], $0x1;
	_ =	sdelay $0x4  }
0x23b: {  	(v2sf) =	vpush v0, $0x0;
	_ =	sdelay $0xe  }
0x23c: {  	s0 =	spop (v2sf)  }
0x23d: {  	p1 =	seq.s32 s0, $0xFFFFFFFF  }
.Ltmp48:
0x23e: {  	_ = 	snop;
	(pc) =	sbr.rel @p1 .LBB2_76-.Ltmp48, $1  }
0x23f: {  	_ =	sdelay $0x3  }
0x240: {  	p1 =	slt.s32 s2, $0x1  }
.Ltmp49:
0x241: {  	_ = 	snop;
	(pc) =	sbr.rel @p1 .LBB2_69-.Ltmp49, $1  }
0x242: {  	_ =	sdelay $0x3  }
0x243: {  	s9 =	simm.s32 $0xC818;
	p1 =	por $0x0, $0x0  }
0x244: {  	v1 =	vld.msk @!p1 [tilespmem:s9+$0x0], $0x1;
	_ =	sdelay $0x4  }
0x245: {  	(v2sf) =	vpush @!p1 v1, $0x0;
	_ =	sdelay $0xd  }
0x246: {  	p3 =	sne.s32 s2, $0x1  }
.Ltmp50:
0x247: {  	s10 =	spop @!p1 (v2sf);
	(pc) =	sbr.rel @!p3 .LBB2_65-.Ltmp50, $4  }
0x248: {  	p2 =	seq.s32 @!p1 s0, s10  }
0x249: {  	s10 =	simm.s32 $0x0;
	p2 =	por !p2, p1  }
0x24a: {  	s12 =	simm.s32 $0xFFFFFFFF;
	s10 =	simm.s32 @p2 $0xFFFFFFFF  }
0x24b: {  	s11 =	simm.s32 $0x1;
	s10 =	smov.u32 @p1 s12  }
.LBB2_64:
0x24c: {  	s12 =	smov.u32 s10;
	p1 =	sne.s32 s10, $0xFFFFFFFF  }
0x24d: {  	s9 =	sadd.s32 $0x1, s9;
	s10 =	smov.u32 s11;
	s11 =	sadd.s32 $0x1, s11  }
0x24e: {  	p2 =	sne.s32 s2, s11;
	v1 =	vld.msk @!p1 [tilespmem:s9+$0x0], $0x1;
	_ =	sdelay $0x4  }
0x24f: {  	(v2sf) =	vpush @!p1 v1, $0x0;
	_ =	sdelay $0xe  }
.Ltmp51:
0x250: {  	s13 =	spop @!p1 (v2sf);
	(pc) =	sbr.rel @p2 .LBB2_64-.Ltmp51, $4  }
0x251: {  	p3 =	seq.s32 @!p1 s0, s13  }
0x252: {  	p3 =	por !p3, p1  }
0x253: {  	s10 =	simm.s32 @p3 $0xFFFFFFFF  }
0x254: {  	s10 =	smov.u32 @p1 s12  }
.LBB2_65:
0x255: {  	p1 =	seq.s32 s10, $0xFFFFFFFF  }
.Ltmp52:
0x256: {  	_ = 	snop;
	(pc) =	sbr.rel @p1 .LBB2_69-.Ltmp52, $1  }
0x257: {  	_ =	sdelay $0x3  }
0x258: {  	s0 =	sshll.u32 s10, $0xB  }
0x259: {  	s0 =	sshra.s32 s0, $0x2  }
0x25a: {  	s9 =	simm.s32 $0x0;
	v0 =	vld [tilespmem:s3+$0x0];
	s10 =	smov.u32 s3;
	s0 =	sadd.s32 $0xC838, s0  }
.LBB2_67:
0x25b: {  	s9 =	sadd.s32 $0x10, s9  }
0x25c: {  	p1 =	slt.u32 s9, $0x1F0  }
.Ltmp53:
0x25d: {  	_ = 	snop;
	(pc) =	sbr.rel @p1 .LBB2_67-.Ltmp53, $3  }
0x25e: {  	_ =	sdelay $0x1  }
0x25f: {  	s10 =	sadd.s32 $0x10, s10;
	[tilespmem:s0+$0x0] =	vst.add.f32.msk $0xffff, v0;
	s0 =	sadd.s32 $0x10, s0  }
0x260: {  	v0 =	vld [tilespmem:s10+$0x0]  }
.Ltmp54:
0x261: {  	_ = 	snop;
	(pc) =	sbr.rel .LBB2_76-.Ltmp54, $2  }
0x262: {  	_ =	sdelay $0x2  }
0x263: {  	[tilespmem:s0+$0x0] =	vst.add.f32.msk $0xffff, v0  }
.LBB2_69:
0x264: {  	p1 =	sgt.u32 s0, $0x9C270  }
.Ltmp55:
0x265: {  	_ = 	snop;
	(pc) =	sbr.rel @p1 .LBB2_73-.Ltmp55, $1  }
0x266: {  	_ =	sdelay $0x3  }
0x267: {  	s9 =	sand.u32 $0xFFFF8, s0;
	s11 =	sand.u32 $0x7, s0  }
0x268: {  	s29 =	sadd.s32 $0x80, s0;
	s10 =	sadd.s32 s1, s9;
	s9 =	simm.s32 $0xC608  }
0x269: {  	[tilespmem:s9], [sflag:$0x8] =	stream.linear.gather [hbm4b:s10+s11], $0x80, $0x38;
	[tilespmem:$0x1C938] =	vst v63  }
0x26a: {  	s10 =	sand.u32 $0x1FFFF8, s29  }
0x26b: {  	s30 =	sadd.s32 $0x100, s0;
	s10 =	sadd.s32 s1, s10  }
0x26c: {  	[tilespmem:s5], [sflag:$0x8] =	stream.linear.gather [hbm4b:s10+s11], $0x80, $0x38;
	[tilespmem:$0x1C938] =	vst v63  }
0x26d: {  	s31 =	sadd.s32 $0x180, s0;
	s10 =	sand.u32 $0x1FFFF8, s30  }
0x26e: {  	s0 =	sand.u32 $0x1FFFF8, s31;
	s10 =	sadd.s32 s1, s10  }
0x26f: {  	[tilespmem:s6], [sflag:$0x8] =	stream.linear.gather [hbm4b:s10+s11], $0x80, $0x38;
	[tilespmem:$0x1C938] =	vst v63  }
0x270: {  	s0 =	sadd.s32 s1, s0  }
0x271: {  	[tilespmem:s7], [sflag:$0x8] =	stream.linear.gather [hbm4b:s0+s11], $0x80, $0x38;
	[tilespmem:$0x1C938] =	vst v63  }
0x272: {  	_ =	swait.ge [sflag:s4], $0x200  }
0x273: {  	[sflag:s4] =	ssyncset.done $0x0  }
0x274: {  	[sflag:s4] =	ssyncadd.s32 $0xFFFFFE00  }
0x275: {  	s10 =	smov.u32 s3;
	s0 =	simm.s32 $0x0;
	v1 =	vld [tilespmem:s9+$0x0]  }
.LBB2_71:
0x276: {  	s0 =	sadd.s32 $0x10, s0  }
0x277: {  	p1 =	slt.u32 s0, $0x1F0  }
.Ltmp56:
0x278: {  	_ = 	snop;
	(pc) =	sbr.rel @p1 .LBB2_71-.Ltmp56, $3  }
0x279: {  	_ =	sdelay $0x1  }
0x27a: {  	s9 =	sadd.s32 $0x10, s9;
	[tilespmem:s10+$0x0] =	vst.add.f32.msk $0xffff, v1;
	s10 =	sadd.s32 $0x10, s10  }
0x27b: {  	v1 =	vld [tilespmem:s9+$0x0]  }
0x27c: {  	_ =	sdelay $0x3  }
0x27d: {  	[tilespmem:s10+$0x0] =	vst.add.f32.msk $0xffff, v1  }
.LBB2_73:
0x27e: {  	s0 =	sshll.u32 s2, $0xB  }
0x27f: {  	[tilespmem:s2+$0xC818] =	vst.msk $0x1, v0;
	s0 =	sshra.s32 s0, $0x2  }
0x280: {  	s9 =	simm.s32 $0x0;
	s10 =	smov.u32 s3;
	v0 =	vld [tilespmem:s3+$0x0];
	s0 =	sadd.s32 $0xC838, s0  }
.LBB2_74:
0x281: {  	s9 =	sadd.s32 $0x10, s9  }
0x282: {  	p1 =	slt.u32 s9, $0x1F0  }
.Ltmp57:
0x283: {  	_ = 	snop;
	(pc) =	sbr.rel @p1 .LBB2_74-.Ltmp57, $3  }
0x284: {  	_ =	sdelay $0x1  }
0x285: {  	s10 =	sadd.s32 $0x10, s10;
	[tilespmem:s0+$0x0] =	vst v0;
	s0 =	sadd.s32 $0x10, s0  }
0x286: {  	v0 =	vld [tilespmem:s10+$0x0]  }
.Ltmp58:
0x287: {  	_ = 	snop;
	(pc) =	sbr.rel .LBB2_76-.Ltmp58, $2  }
0x288: {  	_ =	sdelay $0x2  }
0x289: {  	s2 =	sadd.s32 $0x1, s2;
	[tilespmem:s0+$0x0] =	vst v0  }
.LBB2_77:
0x28a: {  	p1 =	slt.s32 s2, $0x1  }
.Ltmp59:
0x28b: {  	_ = 	snop;
	(pc) =	sbr.rel @p1 .LBB2_81-.Ltmp59, $3  }
0x28c: {  	_ =	sdelay $0x1  }
0x28d: {  	s0 =	simm.s32 $0x8  }
0x28e: {  	[sflag:s0] =	ssyncpa.u1 $0x1;
	s0 =	simm.s32 $0x0  }
0x28f: {  	s3 =	simm.s32 $0xC818  }
0x290: {  	v0 =	vld.msk [tilespmem:s3+$0x0], $0x1;
	_ =	sdelay $0x4  }
0x291: {  	(v2sf) =	vpush v0, $0x0;
	_ =	sdelay $0xe  }
0x292: {  	s7 =	spop (v2sf)  }
0x293: {  	s2 =	sadd.s32 $0xFFFFFFFF, s2;
	p1 =	sgt.u32 s7, $0x9C270  }
0x294: {  	s3 =	simm.s32 $0xC838;
	s4 =	sand.u32 @!p1 $0xFFFF8, s7;
	s8 =	sadd.s32 @!p1 $0x80, s7  }
0x295: {  	s5 =	sand.u32 @!p1 $0x7, s7;
	s4 =	sadd.s32 @!p1 s1, s4;
	s8 =	sand.u32 @!p1 $0x1FFFF8, s8  }
0x296: {  	[hbm4b:s4+s5] =	stream.linear.scatter @!p1 [tilespmem:s3], [sflag:$0x7], $0x80, $0x38;
	[tilespmem:$0x1C938] =	vst v63  }
0x297: {  	p2 =	sne.s32 s2, $0x0;
	s3 =	simm.s32 @!p1 $0xC8B8;
	s4 =	sadd.s32 @!p1 s1, s8  }
0x298: {  	[hbm4b:s4+s5] =	stream.linear.scatter @!p1 [tilespmem:s3], [sflag:$0x7], $0x80, $0x38;
	[tilespmem:$0x1C938] =	vst v63  }
.Ltmp60:
0x299: {  	s6 =	simm.s32 $0x0;
	s9 =	sadd.s32 @!p1 $0x100, s7;
	(pc) =	sbr.rel @!p2 .LBB2_80-.Ltmp60, $4  }
0x29a: {  	s6 =	simm.s32 @!p1 $0x800;
	s8 =	sand.u32 @!p1 $0x1FFFF8, s9;
	s3 =	simm.s32 @!p1 $0xC938  }
0x29b: {  	s4 =	sadd.s32 @!p1 s1, s8;
	s8 =	sadd.s32 @!p1 $0x180, s7;
	s7 =	simm.s32 @!p1 $0xC9B8  }
0x29c: {  	[hbm4b:s4+s5] =	stream.linear.scatter @!p1 [tilespmem:s3], [sflag:$0x7], $0x80, $0x38;
	[tilespmem:$0x1C938] =	vst v63  }
0x29d: {  	s8 =	sand.u32 @!p1 $0x1FFFF8, s8;
	s3 =	simm.s32 $0xC819;
	s4 =	simm.s32 $0xCA38  }
.LBB2_79:
0x29e: {  	s2 =	sadd.s32 $0xFFFFFFFF, s2;
	s8 =	sadd.s32 @!p1 s1, s8;
	s0 =	sadd.s32 s0, s6  }
0x29f: {  	[hbm4b:s8+s5] =	stream.linear.scatter @!p1 [tilespmem:s7], [sflag:$0x7], $0x80, $0x38;
	[tilespmem:$0x1C938] =	vst v63  }
0x2a0: {  	p2 =	sne.s32 s2, $0x0;
	s7 =	smov.u32 s4;
	v0 =	vld.msk [tilespmem:s3+$0x0], $0x1;
	_ =	sdelay $0x4  }
0x2a1: {  	(v2sf) =	vpush v0, $0x0;
	_ =	sdelay $0xe  }
0x2a2: {  	s6 =	spop (v2sf)  }
0x2a3: {  	s4 =	sadd.s32 $0x200, s4;
	s3 =	sadd.s32 $0x1, s3;
	p1 =	sgt.u32 s6, $0x9C270  }
0x2a4: {  	s5 =	sand.u32 @!p1 $0xFFFF8, s6;
	s8 =	sadd.s32 @!p1 $0x80, s6;
	s9 =	sadd.s32 @!p1 $0x100, s6  }
0x2a5: {  	s10 =	sadd.s32 @!p1 s1, s5;
	s5 =	sand.u32 @!p1 $0x7, s6;
	s8 =	sand.u32 @!p1 $0x1FFFF8, s8  }
0x2a6: {  	[hbm4b:s10+s5] =	stream.linear.scatter @!p1 [tilespmem:s7], [sflag:$0x7], $0x80, $0x38;
	[tilespmem:$0x1C938] =	vst v63  }
0x2a7: {  	s9 =	sand.u32 @!p1 $0x1FFFF8, s9;
	s10 =	sadd.s32 @!p1 $0x80, s7  }
.Ltmp61:
0x2a8: {  	s8 =	sadd.s32 @!p1 s1, s8;
	s9 =	sadd.s32 @!p1 s1, s9;
	(pc) =	sbr.rel @p2 .LBB2_79-.Ltmp61, $4  }
0x2a9: {  	[hbm4b:s8+s5] =	stream.linear.scatter @!p1 [tilespmem:s10], [sflag:$0x7], $0x80, $0x38;
	[tilespmem:$0x1C938] =	vst v63  }
0x2aa: {  	s8 =	sadd.s32 @!p1 $0x100, s7;
	s10 =	sadd.s32 @!p1 $0x180, s6;
	s6 =	simm.s32 $0x0  }
0x2ab: {  	[hbm4b:s9+s5] =	stream.linear.scatter @!p1 [tilespmem:s8], [sflag:$0x7], $0x80, $0x38;
	[tilespmem:$0x1C938] =	vst v63  }
0x2ac: {  	s7 =	sadd.s32 @!p1 $0x180, s7;
	s6 =	simm.s32 @!p1 $0x800;
	s8 =	sand.u32 @!p1 $0x1FFFF8, s10  }
.LBB2_80:
0x2ad: {  	s1 =	sadd.s32 @!p1 s1, s8;
	s0 =	sadd.s32 s0, s6  }
0x2ae: {  	[hbm4b:s1+s5] =	stream.linear.scatter @!p1 [tilespmem:s7], [sflag:$0x7], $0x80, $0x38;
	[tilespmem:$0x1C938] =	vst v63  }
0x2af: {  	s0 =	sshrl.u32 s0, $0x2  }
.LBB2_81:
0x2b0: {  	s1 =	simm.s32 $0x7  }
0x2b1: {  	_ =	swait.ge [sflag:s1], s0  }
0x2b2: {  	s31 =	ssub.s32 $0x0, s0;
	[sflag:s1] =	ssyncset.done $0x0  }
0x2b3: {  	[sflag:s1] =	ssyncadd.s32 s31  }
0x2b4: {  	[sflag:s1] =	ssyncpa.u1 $0x1  }
.LBB2_82:
0x2b5: {  	_ =	sfence;
	s0 =	simm.s32 $0x1  }
0x2b6: {  	[sflag:s0] =	ssyncpa.u1 $0x1  }
0x2b7: {  	_ =	strace $0x9000004A  }
0x2b8: {  	[bflag:$0x2] =	sbarrier.arrive $0xFFFF  }
0x2b9: {  	s0 =	rddreg [dreg:$0x3]  }
0x2ba: {  	s0 =	sadd.s32 @!p0 $0x100000, s0  }
0x2bb: {  	[sflag:s0] =	ssyncadd.tile.s32 @!p0 $0x1;
	_ =	shalt  }
.Lfunc_end2:
_tile_overlayer_lowered:
.L_overlay_start_2:
0x2bc: {  	(tag) =	ssettag $0x2  }
0x2bd: {  	s0 =	rddreg [dreg:$0x0];
	s2 =	stileid.u32  }
0x2be: {  	s1 =	rddreg [dreg:$0x1];
	p0 =	sne.s32 s2, $0x0  }
0x2bf: {  	s3 =	rddreg [dreg:$0x2];
	[bflag:$0x3] =	sbarrier.arrive $0xFFFF;
	s2 =	simm.s32 @!p0 $0x1C01  }
0x2c0: {  	[timem:s3], [sflag:s2] =	dma.local @!p0 [hbm:s0], s1  }
0x2c1: {  	s0 =	simm.s32 @!p0 $0x1  }
0x2c2: {  	_ =	swait.ge @!p0 [sflag:s0], s1  }
0x2c3: {  	s1 =	ssub.s32 @!p0 $0x0, s1;
	[sflag:s0] =	ssyncset.done @!p0 $0x0  }
0x2c4: {  	[sflag:s0] =	ssyncadd.s32 @!p0 s1  }
0x2c5: {  	[bflag:$0x3] =	sbarrier.arrive $0xFFFF  }
0x2c6: {  	_ =	shalt  }

// kernel: scatter_offload_async_start
scs
__scs_entry_jumppad:
0x0: {  	(pc) =	sbr.rel $0x88, $3  }
0x1: {  	(tag) =	ssettag $0x0;
	lr =	simm.s32 $0x1  }
0x2: {  	[smem:$0x3F99] =	sst lr;
	_ =	strace $0xD0000000  }
0x3: {  	_ = 	snop  }
0x4: {  	_ = 	snop  }
0x5: {  	_ = 	snop  }
0x6: {  	_ = 	snop  }
0x7: {  	_ = 	snop  }
__scs_overlays_trampoline_lowered:
0x8: {  	[smem:$0x3FA8] =	sst s0  }
0x9: {  	[smem:$0x3FA9] =	sst s1  }
0xa: {  	[smem:$0x3FAA] =	sst s2  }
0xb: {  	[smem:$0x3FAB] =	sst s3  }
0xc: {  	[smem:$0x3FAC] =	sst s4  }
0xd: {  	[smem:$0x3FAD] =	sst s5  }
0xe: {  	[smem:$0x3FAE] =	sst s6  }
0xf: {  	[smem:$0x3FAF] =	sst s7  }
0x10: {  	[smem:$0x3FB0] =	sst s8  }
0x11: {  	[smem:$0x3FB1] =	sst s9;
	s0 =	simm.s32 @!p0 $0x0  }
0x12: {  	s1 =	sld [smem:$0x3F97];
	s0 =	simm.s32 @p0 $0x1  }
0x13: {  	[smem:$0x3FB2] =	sst s0;
	s0 =	simm.s32 @!p1 $0x0  }
0x14: {  	s2 =	sld [smem:$0x3F96];
	s0 =	simm.s32 @p1 $0x1  }
0x15: {  	[smem:$0x3FB3] =	sst s0;
	s0 =	simm.s32 @!p2 $0x0  }
0x16: {  	s3 =	sld [smem:$0x3FDB];
	s0 =	simm.s32 @p2 $0x1  }
0x17: {  	s4 =	simm.s32 $0x1BF5;
	[smem:$0x3FB5] =	sst s0  }
0x18: {  	s0 =	sld [smem:$0x3F98];
	_ =	swait.ge [sflag:s4], $0x0  }
0x19: {  	s7 =	sld [smem:$0x3F99]  }
0x1a: {  	s8 =	sadd.s32 $0xFFFFE003, lr  }
0x1b: {  	s9 =	sadd.s32 $0xFFFFFEF7, lr;
	s5 =	simm.s32 $0xFFFFFFFF;
	p2 =	slt.u32 s8, $0xFFFFF086  }
0x1c: {  	p1 =	slt.u32 s9, $0xF7A;
	s5 =	simm.s32 @!p2 $0x0  }
0x1d: {  	s5 =	simm.s32 @p1 $0x1;
	p0 =	seq.s32 s7, s2  }
0x1e: {  	s7 =	smul.u32 @!p0 $0xF7A, s2;
	p2 =	seq.s32 @!p0 s5, $0x0  }
0x1f: {  	s9 =	smul.u32 $0xF7A, s1;
	s8 =	simm.s32 @!p0 $0x1BF5;
	p2 =	por !p2, p0  }
0x20: {  	[sflag:s8] =	ssyncset.s32 @!p0 $0xFFFFF086;
	s6 =	sadd.s32 @!p0 s3, s7;
	s7 =	simm.s32 @!p0 $0x108  }
0x21: {  	s3 =	sadd.s32 s3, s9;
	s6 =	sadd.s32 @!p0 $0x88, s6;
	s7 =	simm.s32 @p2 $0x1082  }
0x22: {  	[simem:s7], [sflag:s8] =	dma.local @!p0 [hbm:s6], $0xF7A  }
0x23: {  	s9 =	sor.u32 $0xD0000000, s2;
	s6 =	simm.s32 $0x108;
	_ =	swait.ge @!p0 [sflag:s8], $0x0  }
0x24: {  	s3 =	sadd.s32 $0x88, s3;
	s6 =	simm.s32 @!p1 $0x1082;
	[sflag:s4] =	ssyncset.s32 $0xFFFFF086  }
0x25: {  	[simem:s6], [sflag:s4] =	dma.local [hbm:s3], $0xF7A  }
0x26: {  	[smem:$0x3F99] =	sst s1;
	(tag) =	ssettag s2;
	_ =	strace s9  }
0x27: {  	s1 =	sld [smem:$0x3FA9]  }
0x28: {  	s2 =	sld [smem:$0x3FAA]  }
0x29: {  	s4 =	sld [smem:$0x3FAC]  }
0x2a: {  	p0 =	seq.s32 s5, $0x0;
	s5 =	sld [smem:$0x3FAD]  }
0x2b: {  	s6 =	sld [smem:$0x3FAE]  }
0x2c: {  	s7 =	sld [smem:$0x3FAF]  }
0x2d: {  	s3 =	simm.s32 $0x108;
	s8 =	sld [smem:$0x3FB0]  }
0x2e: {  	s3 =	simm.s32 @!p0 $0x1082;
	s9 =	sld [smem:$0x3FB1]  }
0x2f: {  	lr =	sadd.s32 s0, s3;
	s0 =	sld [smem:$0x3FA8]  }
0x30: {  	s3 =	sld [smem:$0x3FAB]  }
0x31: {  	[smem:$0x3FB4] =	sst s10  }
0x32: {  	s10 =	sld [smem:$0x3FB2];
	_ =	sdelay $0x3  }
0x33: {  	p0 =	seq.s32 s10, $0x1;
	s10 =	sld [smem:$0x3FB4];
	_ =	sdelay $0x3  }
0x34: {  	[smem:$0x3FB4] =	sst s10  }
0x35: {  	s10 =	sld [smem:$0x3FB3];
	_ =	sdelay $0x3  }
0x36: {  	p1 =	seq.s32 s10, $0x1;
	s10 =	sld [smem:$0x3FB4];
	_ =	sdelay $0x3  }
0x37: {  	[smem:$0x3FB4] =	sst s10  }
0x38: {  	s10 =	sld [smem:$0x3FB5]  }
0x39: {  	_ = 	snop;
	(pc) =	sbr.ind lr, $3  }
0x3a: {  	_ = 	snop  }
0x3b: {  	_ = 	snop  }
0x3c: {  	p2 =	seq.s32 s10, $0x1;
	s10 =	sld [smem:$0x3FB4]  }
0x3d: {  	_ =	shalt  }
0x3e: {  	_ =	shalt  }
0x3f: {  	_ =	shalt  }
0x40: {  	_ =	shalt  }
0x41: {  	_ =	shalt  }
0x42: {  	_ =	shalt  }
0x43: {  	_ =	shalt  }
0x44: {  	_ =	shalt  }
0x45: {  	_ =	shalt  }
0x46: {  	_ =	shalt  }
0x47: {  	_ =	shalt  }
0x48: {  	_ =	shalt  }
0x49: {  	_ =	shalt  }
0x4a: {  	_ =	shalt  }
0x4b: {  	_ =	shalt  }
0x4c: {  	_ =	shalt  }
0x4d: {  	_ =	shalt  }
0x4e: {  	_ =	shalt  }
0x4f: {  	_ =	shalt  }
0x50: {  	_ =	shalt  }
0x51: {  	_ =	shalt  }
0x52: {  	_ =	shalt  }
0x53: {  	_ =	shalt  }
0x54: {  	_ =	shalt  }
0x55: {  	_ =	shalt  }
0x56: {  	_ =	shalt  }
0x57: {  	_ =	shalt  }
0x58: {  	_ =	shalt  }
0x59: {  	_ =	shalt  }
0x5a: {  	_ =	shalt  }
0x5b: {  	_ =	shalt  }
0x5c: {  	_ =	shalt  }
0x5d: {  	_ =	shalt  }
0x5e: {  	_ =	shalt  }
0x5f: {  	_ =	shalt  }
0x60: {  	_ =	shalt  }
0x61: {  	_ =	shalt  }
0x62: {  	_ =	shalt  }
0x63: {  	_ =	shalt  }
0x64: {  	_ =	shalt  }
0x65: {  	_ =	shalt  }
0x66: {  	_ =	shalt  }
0x67: {  	_ =	shalt  }
0x68: {  	_ =	shalt  }
0x69: {  	_ =	shalt  }
0x6a: {  	_ =	shalt  }
0x6b: {  	_ =	shalt  }
0x6c: {  	_ =	shalt  }
0x6d: {  	_ =	shalt  }
0x6e: {  	_ =	shalt  }
0x6f: {  	_ =	shalt  }
0x70: {  	_ =	shalt  }
0x71: {  	_ =	shalt  }
0x72: {  	_ =	shalt  }
0x73: {  	_ =	shalt  }
0x74: {  	_ =	shalt  }
0x75: {  	_ =	shalt  }
0x76: {  	_ =	shalt  }
0x77: {  	_ =	shalt  }
0x78: {  	_ =	shalt  }
0x79: {  	_ =	shalt  }
0x7a: {  	_ =	shalt  }
0x7b: {  	_ =	shalt  }
0x7c: {  	_ =	shalt  }
0x7d: {  	_ =	shalt  }
0x7e: {  	_ =	shalt  }
0x7f: {  	_ =	shalt  }
0x80: {  	_ =	shalt  }
0x81: {  	_ =	shalt  }
0x82: {  	_ =	shalt  }
0x83: {  	_ =	shalt  }
0x84: {  	_ =	shalt  }
0x85: {  	_ =	shalt  }
0x86: {  	_ =	shalt  }
0x87: {  	_ =	shalt  }
.Lfunc_end0:
.L_simem_size_0:
called_computation_lowered:
.L_overlay_start_0:
0x88: {  	s2 =	sld [smem:$0x3FD9]  }
0x89: {  	s3 =	sld [smem:$0x3FFE];
	_ =	sdelay $0x1  }
0x8a: {  	s1 =	srdreg.scid  }
0x8b: {  	s0 =	sand.u32 $0x1, s1  }
0x8c: {  	s16 =	sshll.u32 s0, $0xA;
	s2 =	sadd.s32 s3, s2  }
0x8d: {  	s2 =	sadd.s32 s2, s16  }
0x8e: {  	[smem:$0x3FC0] =	sst s2  }
0x8f: {  	_ = 	snop  }
0x90: {  	s2 =	sld [smem:$0x3FD0];
	(tm) =	ssettm $0x1  }
0x91: {  	s17 =	sld [smem:$0x3FFB];
	_ =	sdelay $0x3  }
0x92: {  	_ =	strace s17  }
0x93: {  	s3 =	sld [smem:$0x3FFC];
	_ =	sdelay $0x3  }
0x94: {  	_ =	strace s3  }
0x95: {  	s3 =	sld [smem:$0x3FFD];
	_ =	sdelay $0x3  }
0x96: {  	_ =	strace s3  }
0x97: {  	_ =	strace $0x8FFFFFFF  }
0x98: {  	s18 =	sld [smem:$0x3FDB];
	_ =	sdelay $0x1  }
0x99: {  	s4 =	simm.s32 $_scs_section_size  }
0x9a: {  	s5 =	simm.s32 $_size__tile_overlayer_lowered;
	s6 =	simm.s32 $_tile_overlayer_lowered  }
0x9b: {  	s21 =	simm.s32 $0x1BFF;
	s20 =	sshll.u32 s6, $0x1;
	s3 =	sadd.s32 s4, s18  }
0x9c: {  	s7 =	simm.s32 $0x0;
	s19 =	sshll.u32 s5, $0x1;
	s5 =	sadd.s32 s20, s3  }
0x9d: {  	[timem:s7], [sflag:s21] =	dma.local [hbm:s5], s19  }
0x9e: {  	_ =	swait.ge [sflag:s21], s19  }
0x9f: {  	s4 =	ssub.s32 $0x0, s19;
	[sflag:s21] =	ssyncset.done $0x0  }
0xa0: {  	[sflag:s21] =	ssyncadd.s32 s4;
	_ =	sdelay $0x1  }
0xa1: {  	s22 =	simm.s32 $0x1B8B  }
0xa2: {  	_ =	swait.ge [sflag:s22], $0x1  }
0xa3: {  	[sflag:s22] =	ssyncset.done $0x0  }
0xa4: {  	s23 =	sld [smem:$0x3FFE];
	[sflag:s22] =	ssyncadd.s32 $0xFFFFFFFF  }
0xa5: {  	s25 =	simm.s32 $0x1B8E;
	s24 =	sld [smem:$0x0]  }
0xa6: {  	s26 =	simm.s32 $execute0_lowered;
	[smem:$0x3FD2] =	sst s25  }
0xa7: {  	s6 =	sshll.u32 s26, $0x1;
	_ =	strace $0x80000046;
	[dreg:$0x1] =	wrdreg $0xFFFFFFFF  }
0xa8: {  	s28 =	simm.s32 $_size_execute0_lowered;
	s3 =	sadd.s32 s3, s6;
	[dreg:$0x0] =	wrdreg $0x0  }
0xa9: {  	s6 =	sshll.u32 s28, $0x1;
	[dreg:$0x2] =	wrdreg s3  }
0xaa: {  	[dreg:$0x3] =	wrdreg s6  }
0xab: {  	[dreg:$0x4] =	wrdreg $0xC0  }
0xac: {  	_ =	task [dreg:s7], $0x5FFFF  }
0xad: {  	[dreg:$0x1] =	wrdreg $0xFFFFFFFF  }
0xae: {  	[dreg:$0x0] =	wrdreg $0x60  }
0xaf: {  	[dreg:$0x2] =	wrdreg s2  }
0xb0: {  	[dreg:$0x3] =	wrdreg s23  }
0xb1: {  	[dreg:$0x4] =	wrdreg s1  }
0xb2: {  	[dreg:$0x5] =	wrdreg s24  }
0xb3: {  	[dreg:$0x6] =	wrdreg $0x9  }
0xb4: {  	_ =	task.clear_ibuf [dreg:s7], $0x7FFFF;
	_ =	strace $0x90000046  }
0xb5: {  	s29 =	simm.s32 $0x9;
	_ =	strace $0x80000048  }
0xb6: {  	_ =	swait.ge [sflag:s29], $0x1  }
0xb7: {  	[sflag:s29] =	ssyncadd.s32 $0xFFFFFFFF  }
0xb8: {  	_ =	strace $0x90000048  }
0xb9: {  	_ =	sfence  }
0xba: {  	s30 =	sld [smem:$0x0];
	_ =	sdelay $0x2  }
0xbb: {  	s31 =	sshll.u32 s1, $0xD;
	s1 =	sshrl.u32 s1, $0x2  }
0xbc: {  	s3 =	sand.u32 $0x4000, s31;
	s1 =	sadd.s32 s1, s30  }
0xbd: {  	s0 =	sor.u32 s3, s0;
	s1 =	sshll.u32 s1, $0x11  }
0xbe: {  	s0 =	sor.u32 s1, s0  }
0xbf: {  	s0 =	sadd.s32 $0x8F2B, s0  }
0xc0: {  	[sflag:s0] =	ssyncadd.remote.s32 $0x1  }
0xc1: {  	_ =	sfence.sel $0xFFFF  }
0xc2: {  	[dreg:$0x0] =	wrdreg $0xFFFFFFFF;
	(pc) =	sbr.abs _section_cstart, $3  }
0xc3: {  	[dreg:$0x1] =	wrdreg $0xFFFFFFFF  }
0xc4: {  	_ =	task.clear_ibuf [dreg:s7], $0x2FFFF;
	_ =	strace $0x9FFFFFFF  }
0xc5: {  	(tm) =	ssettm $0x7FFFFFFF  }
tec
execute0_lowered:
.L_overlay_start_1:
0x0: {  	(tag) =	ssettag $0x1  }
0x1: {  	s1 =	rddreg [dreg:$0x0]  }
0x2: {  	s12 =	rddreg [dreg:$0x1]  }
0x3: {  	s3 =	rddreg [dreg:$0x2];
	_ =	strace $0x80000047;
	s13 =	simm.s32 $0x1  }
0x4: {  	v0 =	vimm.s32 $0x0;
	[sflag:s13] =	ssyncpa.u1 $0x0  }
0x5: {  	[tilespmem:$0x28] =	vst v0  }
0x6: {  	[tilespmem:$0x38] =	vst v0  }
0x7: {  	[tilespmem:$0x48] =	vst v0  }
0x8: {  	[tilespmem:$0x58] =	vst v0  }
0x9: {  	[tilespmem:$0x68] =	vst v0  }
0xa: {  	[tilespmem:$0x78] =	vst v0  }
0xb: {  	[tilespmem:$0x88] =	vst v0  }
0xc: {  	[tilespmem:$0x98] =	vst v0  }
0xd: {  	[tilespmem:$0xA8] =	vst v0  }
0xe: {  	[tilespmem:$0xB8] =	vst v0  }
0xf: {  	[tilespmem:$0xC8] =	vst v0  }
0x10: {  	[tilespmem:$0xD8] =	vst v0  }
0x11: {  	[tilespmem:$0xE8] =	vst v0  }
0x12: {  	[tilespmem:$0xF8] =	vst v0  }
0x13: {  	[tilespmem:$0x108] =	vst v0  }
0x14: {  	[tilespmem:$0x118] =	vst v0  }
0x15: {  	[tilespmem:$0x128] =	vst v0  }
0x16: {  	[tilespmem:$0x138] =	vst v0  }
0x17: {  	[tilespmem:$0x148] =	vst v0  }
0x18: {  	[tilespmem:$0x158] =	vst v0  }
0x19: {  	[tilespmem:$0x168] =	vst v0  }
0x1a: {  	[tilespmem:$0x178] =	vst v0  }
0x1b: {  	[tilespmem:$0x188] =	vst v0  }
0x1c: {  	[tilespmem:$0x198] =	vst v0  }
0x1d: {  	[tilespmem:$0x1A8] =	vst v0  }
0x1e: {  	[tilespmem:$0x1B8] =	vst v0  }
0x1f: {  	[tilespmem:$0x1C8] =	vst v0  }
0x20: {  	[tilespmem:$0x1D8] =	vst v0  }
0x21: {  	[tilespmem:$0x1E8] =	vst v0  }
0x22: {  	[tilespmem:$0x1F8] =	vst v0  }
0x23: {  	[tilespmem:$0x208] =	vst v0  }
0x24: {  	[tilespmem:$0x218] =	vst v0  }
0x25: {  	[tilespmem:$0x228] =	vst v0  }
0x26: {  	[tilespmem:$0x238] =	vst v0  }
0x27: {  	[tilespmem:$0x248] =	vst v0  }
0x28: {  	[tilespmem:$0x258] =	vst v0  }
0x29: {  	[tilespmem:$0x268] =	vst v0  }
0x2a: {  	[tilespmem:$0x278] =	vst v0  }
0x2b: {  	[tilespmem:$0x288] =	vst v0  }
0x2c: {  	[tilespmem:$0x298] =	vst v0  }
0x2d: {  	[tilespmem:$0x2A8] =	vst v0  }
0x2e: {  	[tilespmem:$0x2B8] =	vst v0  }
0x2f: {  	[tilespmem:$0x2C8] =	vst v0  }
0x30: {  	[tilespmem:$0x2D8] =	vst v0  }
0x31: {  	[tilespmem:$0x2E8] =	vst v0  }
0x32: {  	[tilespmem:$0x2F8] =	vst v0  }
0x33: {  	[tilespmem:$0x308] =	vst v0  }
0x34: {  	[tilespmem:$0x318] =	vst v0  }
0x35: {  	[tilespmem:$0x328] =	vst v0  }
0x36: {  	[tilespmem:$0x338] =	vst v0  }
0x37: {  	[tilespmem:$0x348] =	vst v0  }
0x38: {  	[tilespmem:$0x358] =	vst v0  }
0x39: {  	[tilespmem:$0x368] =	vst v0  }
0x3a: {  	[tilespmem:$0x378] =	vst v0  }
0x3b: {  	[tilespmem:$0x388] =	vst v0  }
0x3c: {  	[tilespmem:$0x398] =	vst v0  }
0x3d: {  	[tilespmem:$0x3A8] =	vst v0  }
0x3e: {  	[tilespmem:$0x3B8] =	vst v0  }
0x3f: {  	[tilespmem:$0x3C8] =	vst v0  }
0x40: {  	[tilespmem:$0x3D8] =	vst v0  }
0x41: {  	[tilespmem:$0x3E8] =	vst v0  }
0x42: {  	[tilespmem:$0x3F8] =	vst v0  }
0x43: {  	[tilespmem:$0x408] =	vst v0  }
0x44: {  	[tilespmem:$0x418] =	vst v0  }
0x45: {  	[tilespmem:$0x428] =	vst v0  }
0x46: {  	[tilespmem:$0x438] =	vst v0  }
0x47: {  	[tilespmem:$0x448] =	vst v0  }
0x48: {  	[tilespmem:$0x458] =	vst v0  }
0x49: {  	[tilespmem:$0x468] =	vst v0  }
0x4a: {  	[tilespmem:$0x478] =	vst v0  }
0x4b: {  	[tilespmem:$0x488] =	vst v0  }
0x4c: {  	[tilespmem:$0x498] =	vst v0  }
0x4d: {  	[tilespmem:$0x4A8] =	vst v0  }
0x4e: {  	[tilespmem:$0x4B8] =	vst v0  }
0x4f: {  	[tilespmem:$0x4C8] =	vst v0  }
0x50: {  	[tilespmem:$0x4D8] =	vst v0  }
0x51: {  	[tilespmem:$0x4E8] =	vst v0  }
0x52: {  	[tilespmem:$0x4F8] =	vst v0  }
0x53: {  	[tilespmem:$0x508] =	vst v0  }
0x54: {  	[tilespmem:$0x518] =	vst v0  }
0x55: {  	[tilespmem:$0x528] =	vst v0  }
0x56: {  	[tilespmem:$0x538] =	vst v0  }
0x57: {  	[tilespmem:$0x548] =	vst v0  }
0x58: {  	[tilespmem:$0x558] =	vst v0  }
0x59: {  	[tilespmem:$0x568] =	vst v0  }
0x5a: {  	[tilespmem:$0x578] =	vst v0  }
0x5b: {  	[tilespmem:$0x588] =	vst v0  }
0x5c: {  	[tilespmem:$0x598] =	vst v0  }
0x5d: {  	[tilespmem:$0x5A8] =	vst v0  }
0x5e: {  	[tilespmem:$0x5B8] =	vst v0  }
0x5f: {  	[tilespmem:$0x5C8] =	vst v0  }
0x60: {  	[tilespmem:$0x5D8] =	vst v0  }
0x61: {  	[tilespmem:$0x5E8] =	vst v0  }
0x62: {  	[tilespmem:$0x5F8] =	vst v0  }
0x63: {  	[tilespmem:$0x608] =	vst v0  }
0x64: {  	[tilespmem:$0x618] =	vst v0  }
0x65: {  	[tilespmem:$0x628] =	vst v0  }
0x66: {  	[tilespmem:$0x638] =	vst v0  }
0x67: {  	[tilespmem:$0x648] =	vst v0  }
0x68: {  	[tilespmem:$0x658] =	vst v0  }
0x69: {  	[tilespmem:$0x668] =	vst v0  }
0x6a: {  	[tilespmem:$0x678] =	vst v0  }
0x6b: {  	[tilespmem:$0x688] =	vst v0  }
0x6c: {  	[tilespmem:$0x698] =	vst v0  }
0x6d: {  	[tilespmem:$0x6A8] =	vst v0  }
0x6e: {  	[tilespmem:$0x6B8] =	vst v0  }
0x6f: {  	[tilespmem:$0x6C8] =	vst v0  }
0x70: {  	[tilespmem:$0x6D8] =	vst v0  }
0x71: {  	[tilespmem:$0x6E8] =	vst v0  }
0x72: {  	[tilespmem:$0x6F8] =	vst v0  }
0x73: {  	[tilespmem:$0x708] =	vst v0  }
0x74: {  	[tilespmem:$0x718] =	vst v0  }
0x75: {  	[tilespmem:$0x728] =	vst v0  }
0x76: {  	[tilespmem:$0x738] =	vst v0  }
0x77: {  	[tilespmem:$0x748] =	vst v0  }
0x78: {  	[tilespmem:$0x758] =	vst v0  }
0x79: {  	[tilespmem:$0x768] =	vst v0  }
0x7a: {  	[tilespmem:$0x778] =	vst v0  }
0x7b: {  	[tilespmem:$0x788] =	vst v0  }
0x7c: {  	[tilespmem:$0x798] =	vst v0  }
0x7d: {  	[tilespmem:$0x7A8] =	vst v0  }
0x7e: {  	[tilespmem:$0x7B8] =	vst v0  }
0x7f: {  	[tilespmem:$0x7C8] =	vst v0  }
0x80: {  	[tilespmem:$0x7D8] =	vst v0  }
0x81: {  	[tilespmem:$0x7E8] =	vst v0  }
0x82: {  	[tilespmem:$0x7F8] =	vst v0  }
0x83: {  	[tilespmem:$0x808] =	vst v0  }
0x84: {  	[tilespmem:$0x818] =	vst v0  }
0x85: {  	[tilespmem:$0x828] =	vst v0  }
0x86: {  	[tilespmem:$0x838] =	vst v0  }
0x87: {  	[tilespmem:$0x848] =	vst v0  }
0x88: {  	[tilespmem:$0x858] =	vst v0  }
0x89: {  	[tilespmem:$0x868] =	vst v0  }
0x8a: {  	[tilespmem:$0x878] =	vst v0  }
0x8b: {  	[tilespmem:$0x888] =	vst v0  }
0x8c: {  	[tilespmem:$0x898] =	vst v0  }
0x8d: {  	[tilespmem:$0x8A8] =	vst v0  }
0x8e: {  	[tilespmem:$0x8B8] =	vst v0  }
0x8f: {  	[tilespmem:$0x8C8] =	vst v0  }
0x90: {  	[tilespmem:$0x8D8] =	vst v0  }
0x91: {  	[tilespmem:$0x8E8] =	vst v0  }
0x92: {  	[tilespmem:$0x8F8] =	vst v0  }
0x93: {  	[tilespmem:$0x908] =	vst v0  }
0x94: {  	[tilespmem:$0x918] =	vst v0  }
0x95: {  	[tilespmem:$0x928] =	vst v0  }
0x96: {  	[tilespmem:$0x938] =	vst v0  }
0x97: {  	[tilespmem:$0x948] =	vst v0  }
0x98: {  	[tilespmem:$0x958] =	vst v0  }
0x99: {  	[tilespmem:$0x968] =	vst v0  }
0x9a: {  	[tilespmem:$0x978] =	vst v0  }
0x9b: {  	[tilespmem:$0x988] =	vst v0  }
0x9c: {  	[tilespmem:$0x998] =	vst v0  }
0x9d: {  	[tilespmem:$0x9A8] =	vst v0  }
0x9e: {  	[tilespmem:$0x9B8] =	vst v0  }
0x9f: {  	[tilespmem:$0x9C8] =	vst v0  }
0xa0: {  	[tilespmem:$0x9D8] =	vst v0  }
0xa1: {  	[tilespmem:$0x9E8] =	vst v0  }
0xa2: {  	[tilespmem:$0x9F8] =	vst v0  }
0xa3: {  	[tilespmem:$0xA08] =	vst v0  }
0xa4: {  	[tilespmem:$0xA18] =	vst v0  }
0xa5: {  	[tilespmem:$0xA28] =	vst v0  }
0xa6: {  	[tilespmem:$0xA38] =	vst v0  }
0xa7: {  	[tilespmem:$0xA48] =	vst v0  }
0xa8: {  	[tilespmem:$0xA58] =	vst v0  }
0xa9: {  	[tilespmem:$0xA68] =	vst v0  }
0xaa: {  	[tilespmem:$0xA78] =	vst v0  }
0xab: {  	[tilespmem:$0xA88] =	vst v0  }
0xac: {  	[tilespmem:$0xA98] =	vst v0  }
0xad: {  	[tilespmem:$0xAA8] =	vst v0  }
0xae: {  	[tilespmem:$0xAB8] =	vst v0  }
0xaf: {  	[tilespmem:$0xAC8] =	vst v0  }
0xb0: {  	[tilespmem:$0xAD8] =	vst v0  }
0xb1: {  	[tilespmem:$0xAE8] =	vst v0  }
0xb2: {  	[tilespmem:$0xAF8] =	vst v0  }
0xb3: {  	[tilespmem:$0xB08] =	vst v0  }
0xb4: {  	[tilespmem:$0xB18] =	vst v0  }
0xb5: {  	[tilespmem:$0xB28] =	vst v0  }
0xb6: {  	[tilespmem:$0xB38] =	vst v0  }
0xb7: {  	[tilespmem:$0xB48] =	vst v0  }
0xb8: {  	[tilespmem:$0xB58] =	vst v0  }
0xb9: {  	[tilespmem:$0xB68] =	vst v0  }
0xba: {  	[tilespmem:$0xB78] =	vst v0  }
0xbb: {  	[tilespmem:$0xB88] =	vst v0  }
0xbc: {  	[tilespmem:$0xB98] =	vst v0  }
0xbd: {  	[tilespmem:$0xBA8] =	vst v0  }
0xbe: {  	[tilespmem:$0xBB8] =	vst v0  }
0xbf: {  	[tilespmem:$0xBC8] =	vst v0  }
0xc0: {  	[tilespmem:$0xBD8] =	vst v0  }
0xc1: {  	[tilespmem:$0xBE8] =	vst v0  }
0xc2: {  	[tilespmem:$0xBF8] =	vst v0  }
0xc3: {  	[tilespmem:$0xC08] =	vst v0  }
0xc4: {  	[tilespmem:$0xC18] =	vst v0  }
0xc5: {  	[tilespmem:$0xC28] =	vst v0  }
0xc6: {  	[tilespmem:$0xC38] =	vst v0  }
0xc7: {  	[tilespmem:$0xC48] =	vst v0  }
0xc8: {  	[tilespmem:$0xC58] =	vst v0  }
0xc9: {  	[tilespmem:$0xC68] =	vst v0  }
0xca: {  	[tilespmem:$0xC78] =	vst v0  }
0xcb: {  	[tilespmem:$0xC88] =	vst v0  }
0xcc: {  	[tilespmem:$0xC98] =	vst v0  }
0xcd: {  	[tilespmem:$0xCA8] =	vst v0  }
0xce: {  	[tilespmem:$0xCB8] =	vst v0  }
0xcf: {  	[tilespmem:$0xCC8] =	vst v0  }
0xd0: {  	[tilespmem:$0xCD8] =	vst v0  }
0xd1: {  	[tilespmem:$0xCE8] =	vst v0  }
0xd2: {  	[tilespmem:$0xCF8] =	vst v0  }
0xd3: {  	[tilespmem:$0xD08] =	vst v0  }
0xd4: {  	[tilespmem:$0xD18] =	vst v0  }
0xd5: {  	[tilespmem:$0xD28] =	vst v0  }
0xd6: {  	[tilespmem:$0xD38] =	vst v0  }
0xd7: {  	[tilespmem:$0xD48] =	vst v0  }
0xd8: {  	[tilespmem:$0xD58] =	vst v0  }
0xd9: {  	[tilespmem:$0xD68] =	vst v0  }
0xda: {  	[tilespmem:$0xD78] =	vst v0  }
0xdb: {  	[tilespmem:$0xD88] =	vst v0  }
0xdc: {  	[tilespmem:$0xD98] =	vst v0  }
0xdd: {  	[tilespmem:$0xDA8] =	vst v0  }
0xde: {  	[tilespmem:$0xDB8] =	vst v0  }
0xdf: {  	[tilespmem:$0xDC8] =	vst v0  }
0xe0: {  	[tilespmem:$0xDD8] =	vst v0  }
0xe1: {  	[tilespmem:$0xDE8] =	vst v0  }
0xe2: {  	[tilespmem:$0xDF8] =	vst v0  }
0xe3: {  	[tilespmem:$0xE08] =	vst v0  }
0xe4: {  	[tilespmem:$0xE18] =	vst v0  }
0xe5: {  	[tilespmem:$0xE28] =	vst v0  }
0xe6: {  	[tilespmem:$0xE38] =	vst v0  }
0xe7: {  	[tilespmem:$0xE48] =	vst v0  }
0xe8: {  	[tilespmem:$0xE58] =	vst v0  }
0xe9: {  	[tilespmem:$0xE68] =	vst v0  }
0xea: {  	[tilespmem:$0xE78] =	vst v0  }
0xeb: {  	[tilespmem:$0xE88] =	vst v0  }
0xec: {  	[tilespmem:$0xE98] =	vst v0  }
0xed: {  	[tilespmem:$0xEA8] =	vst v0  }
0xee: {  	[tilespmem:$0xEB8] =	vst v0  }
0xef: {  	[tilespmem:$0xEC8] =	vst v0  }
0xf0: {  	[tilespmem:$0xED8] =	vst v0  }
0xf1: {  	[tilespmem:$0xEE8] =	vst v0  }
0xf2: {  	[tilespmem:$0xEF8] =	vst v0  }
0xf3: {  	[tilespmem:$0xF08] =	vst v0  }
0xf4: {  	[tilespmem:$0xF18] =	vst v0  }
0xf5: {  	[tilespmem:$0xF28] =	vst v0  }
0xf6: {  	[tilespmem:$0xF38] =	vst v0  }
0xf7: {  	[tilespmem:$0xF48] =	vst v0  }
0xf8: {  	[tilespmem:$0xF58] =	vst v0  }
0xf9: {  	[tilespmem:$0xF68] =	vst v0  }
0xfa: {  	[tilespmem:$0xF78] =	vst v0  }
0xfb: {  	[tilespmem:$0xF88] =	vst v0  }
0xfc: {  	[tilespmem:$0xF98] =	vst v0  }
0xfd: {  	[tilespmem:$0xFA8] =	vst v0  }
0xfe: {  	[tilespmem:$0xFB8] =	vst v0  }
0xff: {  	[tilespmem:$0xFC8] =	vst v0  }
0x100: {  	[tilespmem:$0xFD8] =	vst v0  }
0x101: {  	[tilespmem:$0xFE8] =	vst v0  }
0x102: {  	[tilespmem:$0xFF8] =	vst v0  }
0x103: {  	[tilespmem:$0x1008] =	vst v0  }
0x104: {  	[tilespmem:$0x10C8] =	vst v0  }
0x105: {  	[tilespmem:$0x1B28] =	vst v0  }
0x106: {  	[tilespmem:$0x1B18] =	vst v0  }
0x107: {  	[tilespmem:$0x1B08] =	vst v0  }
0x108: {  	[tilespmem:$0x1AF8] =	vst v0  }
0x109: {  	[tilespmem:$0x1AE8] =	vst v0  }
0x10a: {  	[tilespmem:$0x1AD8] =	vst v0  }
0x10b: {  	[tilespmem:$0x1AC8] =	vst v0  }
0x10c: {  	[tilespmem:$0x1AB8] =	vst v0  }
0x10d: {  	[tilespmem:$0x1AA8] =	vst v0  }
0x10e: {  	[tilespmem:$0x1A98] =	vst v0  }
0x10f: {  	[tilespmem:$0x1A88] =	vst v0  }
0x110: {  	[tilespmem:$0x1A78] =	vst v0  }
0x111: {  	[tilespmem:$0x1A68] =	vst v0  }
0x112: {  	[tilespmem:$0x1A58] =	vst v0  }
0x113: {  	[tilespmem:$0x1A48] =	vst v0  }
0x114: {  	[tilespmem:$0x1A38] =	vst v0  }
0x115: {  	[tilespmem:$0x1A28] =	vst v0  }
0x116: {  	[tilespmem:$0x1A18] =	vst v0  }
0x117: {  	[tilespmem:$0x1A08] =	vst v0  }
0x118: {  	[tilespmem:$0x19F8] =	vst v0  }
0x119: {  	[tilespmem:$0x19E8] =	vst v0  }
0x11a: {  	[tilespmem:$0x19D8] =	vst v0  }
0x11b: {  	[tilespmem:$0x19C8] =	vst v0  }
0x11c: {  	[tilespmem:$0x19B8] =	vst v0  }
0x11d: {  	[tilespmem:$0x19A8] =	vst v0  }
0x11e: {  	[tilespmem:$0x1998] =	vst v0  }
0x11f: {  	[tilespmem:$0x1988] =	vst v0  }
0x120: {  	[tilespmem:$0x1978] =	vst v0  }
0x121: {  	[tilespmem:$0x1968] =	vst v0  }
0x122: {  	[tilespmem:$0x1958] =	vst v0  }
0x123: {  	[tilespmem:$0x1948] =	vst v0  }
0x124: {  	[tilespmem:$0x1938] =	vst v0  }
0x125: {  	[tilespmem:$0x1928] =	vst v0  }
0x126: {  	[tilespmem:$0x1918] =	vst v0  }
0x127: {  	[tilespmem:$0x1908] =	vst v0  }
0x128: {  	[tilespmem:$0x18F8] =	vst v0  }
0x129: {  	[tilespmem:$0x18E8] =	vst v0  }
0x12a: {  	[tilespmem:$0x18D8] =	vst v0  }
0x12b: {  	[tilespmem:$0x18C8] =	vst v0  }
0x12c: {  	[tilespmem:$0x18B8] =	vst v0  }
0x12d: {  	[tilespmem:$0x18A8] =	vst v0  }
0x12e: {  	[tilespmem:$0x1898] =	vst v0  }
0x12f: {  	[tilespmem:$0x1888] =	vst v0  }
0x130: {  	[tilespmem:$0x1878] =	vst v0  }
0x131: {  	[tilespmem:$0x1868] =	vst v0  }
0x132: {  	[tilespmem:$0x1858] =	vst v0  }
0x133: {  	[tilespmem:$0x1848] =	vst v0  }
0x134: {  	[tilespmem:$0x1838] =	vst v0  }
0x135: {  	[tilespmem:$0x1828] =	vst v0  }
0x136: {  	[tilespmem:$0x1818] =	vst v0  }
0x137: {  	[tilespmem:$0x1808] =	vst v0  }
0x138: {  	[tilespmem:$0x17F8] =	vst v0  }
0x139: {  	[tilespmem:$0x17E8] =	vst v0  }
0x13a: {  	[tilespmem:$0x17D8] =	vst v0  }
0x13b: {  	[tilespmem:$0x17C8] =	vst v0  }
0x13c: {  	[tilespmem:$0x17B8] =	vst v0  }
0x13d: {  	[tilespmem:$0x17A8] =	vst v0  }
0x13e: {  	[tilespmem:$0x1798] =	vst v0  }
0x13f: {  	[tilespmem:$0x1788] =	vst v0  }
0x140: {  	[tilespmem:$0x1778] =	vst v0  }
0x141: {  	[tilespmem:$0x1768] =	vst v0  }
0x142: {  	[tilespmem:$0x1758] =	vst v0  }
0x143: {  	[tilespmem:$0x1748] =	vst v0  }
0x144: {  	[tilespmem:$0x1738] =	vst v0  }
0x145: {  	[tilespmem:$0x1728] =	vst v0  }
0x146: {  	[tilespmem:$0x1718] =	vst v0  }
0x147: {  	[tilespmem:$0x1708] =	vst v0  }
0x148: {  	[tilespmem:$0x16F8] =	vst v0  }
0x149: {  	[tilespmem:$0x16E8] =	vst v0  }
0x14a: {  	[tilespmem:$0x16D8] =	vst v0  }
0x14b: {  	[tilespmem:$0x16C8] =	vst v0  }
0x14c: {  	[tilespmem:$0x16B8] =	vst v0  }
0x14d: {  	[tilespmem:$0x16A8] =	vst v0  }
0x14e: {  	[tilespmem:$0x1698] =	vst v0  }
0x14f: {  	[tilespmem:$0x1688] =	vst v0  }
0x150: {  	[tilespmem:$0x1678] =	vst v0  }
0x151: {  	[tilespmem:$0x1668] =	vst v0  }
0x152: {  	[tilespmem:$0x1658] =	vst v0  }
0x153: {  	[tilespmem:$0x1648] =	vst v0  }
0x154: {  	[tilespmem:$0x1638] =	vst v0  }
0x155: {  	[tilespmem:$0x1628] =	vst v0  }
0x156: {  	[tilespmem:$0x1618] =	vst v0  }
0x157: {  	[tilespmem:$0x1608] =	vst v0  }
0x158: {  	[tilespmem:$0x15F8] =	vst v0  }
0x159: {  	[tilespmem:$0x15E8] =	vst v0  }
0x15a: {  	[tilespmem:$0x15D8] =	vst v0  }
0x15b: {  	[tilespmem:$0x15C8] =	vst v0  }
0x15c: {  	[tilespmem:$0x15B8] =	vst v0  }
0x15d: {  	[tilespmem:$0x15A8] =	vst v0  }
0x15e: {  	[tilespmem:$0x1598] =	vst v0  }
0x15f: {  	[tilespmem:$0x1588] =	vst v0  }
0x160: {  	[tilespmem:$0x1578] =	vst v0  }
0x161: {  	[tilespmem:$0x1568] =	vst v0  }
0x162: {  	[tilespmem:$0x1558] =	vst v0  }
0x163: {  	[tilespmem:$0x1548] =	vst v0  }
0x164: {  	[tilespmem:$0x1538] =	vst v0  }
0x165: {  	[tilespmem:$0x1528] =	vst v0  }
0x166: {  	[tilespmem:$0x1518] =	vst v0  }
0x167: {  	[tilespmem:$0x1508] =	vst v0  }
0x168: {  	[tilespmem:$0x14F8] =	vst v0  }
0x169: {  	[tilespmem:$0x14E8] =	vst v0  }
0x16a: {  	[tilespmem:$0x14D8] =	vst v0  }
0x16b: {  	[tilespmem:$0x14C8] =	vst v0  }
0x16c: {  	[tilespmem:$0x14B8] =	vst v0  }
0x16d: {  	[tilespmem:$0x14A8] =	vst v0  }
0x16e: {  	[tilespmem:$0x1498] =	vst v0  }
0x16f: {  	[tilespmem:$0x1488] =	vst v0  }
0x170: {  	[tilespmem:$0x1478] =	vst v0  }
0x171: {  	[tilespmem:$0x1468] =	vst v0  }
0x172: {  	[tilespmem:$0x1458] =	vst v0  }
0x173: {  	[tilespmem:$0x1448] =	vst v0  }
0x174: {  	[tilespmem:$0x1438] =	vst v0  }
0x175: {  	[tilespmem:$0x1428] =	vst v0  }
0x176: {  	[tilespmem:$0x1418] =	vst v0  }
0x177: {  	[tilespmem:$0x1408] =	vst v0  }
0x178: {  	[tilespmem:$0x13F8] =	vst v0  }
0x179: {  	[tilespmem:$0x13E8] =	vst v0  }
0x17a: {  	[tilespmem:$0x13D8] =	vst v0  }
0x17b: {  	[tilespmem:$0x13C8] =	vst v0  }
0x17c: {  	[tilespmem:$0x13B8] =	vst v0  }
0x17d: {  	[tilespmem:$0x13A8] =	vst v0  }
0x17e: {  	[tilespmem:$0x1398] =	vst v0  }
0x17f: {  	[tilespmem:$0x1388] =	vst v0  }
0x180: {  	[tilespmem:$0x1378] =	vst v0  }
0x181: {  	[tilespmem:$0x1368] =	vst v0  }
0x182: {  	[tilespmem:$0x1358] =	vst v0  }
0x183: {  	[tilespmem:$0x1348] =	vst v0  }
0x184: {  	[tilespmem:$0x1338] =	vst v0  }
0x185: {  	[tilespmem:$0x1328] =	vst v0  }
0x186: {  	[tilespmem:$0x1318] =	vst v0  }
0x187: {  	[tilespmem:$0x1308] =	vst v0  }
0x188: {  	[tilespmem:$0x12F8] =	vst v0  }
0x189: {  	[tilespmem:$0x12E8] =	vst v0  }
0x18a: {  	[tilespmem:$0x12D8] =	vst v0  }
0x18b: {  	[tilespmem:$0x12C8] =	vst v0  }
0x18c: {  	[tilespmem:$0x12B8] =	vst v0  }
0x18d: {  	[tilespmem:$0x12A8] =	vst v0  }
0x18e: {  	[tilespmem:$0x1298] =	vst v0  }
0x18f: {  	[tilespmem:$0x1288] =	vst v0  }
0x190: {  	[tilespmem:$0x1278] =	vst v0  }
0x191: {  	[tilespmem:$0x1268] =	vst v0  }
0x192: {  	[tilespmem:$0x1258] =	vst v0  }
0x193: {  	[tilespmem:$0x1248] =	vst v0  }
0x194: {  	[tilespmem:$0x1238] =	vst v0  }
0x195: {  	[tilespmem:$0x1228] =	vst v0  }
0x196: {  	[tilespmem:$0x1218] =	vst v0  }
0x197: {  	[tilespmem:$0x1208] =	vst v0  }
0x198: {  	[tilespmem:$0x11F8] =	vst v0  }
0x199: {  	[tilespmem:$0x11E8] =	vst v0  }
0x19a: {  	[tilespmem:$0x11D8] =	vst v0  }
0x19b: {  	[tilespmem:$0x11C8] =	vst v0  }
0x19c: {  	[tilespmem:$0x11B8] =	vst v0  }
0x19d: {  	[tilespmem:$0x11A8] =	vst v0  }
0x19e: {  	[tilespmem:$0x1198] =	vst v0  }
0x19f: {  	[tilespmem:$0x1188] =	vst v0  }
0x1a0: {  	[tilespmem:$0x1178] =	vst v0  }
0x1a1: {  	[tilespmem:$0x1168] =	vst v0  }
0x1a2: {  	[tilespmem:$0x1158] =	vst v0  }
0x1a3: {  	[tilespmem:$0x1148] =	vst v0  }
0x1a4: {  	[tilespmem:$0x1138] =	vst v0  }
0x1a5: {  	[tilespmem:$0x1128] =	vst v0  }
0x1a6: {  	[tilespmem:$0x1118] =	vst v0  }
0x1a7: {  	s4 =	stileid.u32;
	[tilespmem:$0x1108] =	vst v0  }
0x1a8: {  	s0 =	smul.u32 $0xB, s4;
	[tilespmem:$0x10F8] =	vst v0  }
0x1a9: {  	s2 =	smin.u32 s4, $0xA;
	[tilespmem:$0x10E8] =	vst v0  }
0x1aa: {  	[tilespmem:$0x10D8] =	vst v0;
	s0 =	sadd.s32 s2, s0  }
0x1ab: {  	p0 =	slt.u32 s4, $0xA;
	[tilespmem:$0x10A8] =	vst v0;
	s2 =	simm.s32 $0x1440;
	s6 =	smul.u32 $0x1B0, s0  }
0x1ac: {  	s2 =	simm.s32 @!p0 $0x1290;
	[tilespmem:$0x10B8] =	vst v0  }
0x1ad: {  	[tilespmem:$0x1098] =	vst v0;
	s0 =	sadd.s32 s2, s6  }
0x1ae: {  	[tilespmem:$0x1028] =	vst v0;
	s7 =	smin.u32 s0, $0x13880  }
0x1af: {  	s5 =	simm.s32 $0x2;
	s26 =	simm.s32 $0x9;
	[tilespmem:$0x1088] =	vst v0;
	s0 =	ssub.s32 s7, s6  }
0x1b0: {  	s29 =	simm.s32 $0xA;
	s30 =	simm.s32 $0xB;
	[tilespmem:$0x1078] =	vst v0;
	p0 =	sgt.s32 s0, $0x0  }
0x1b1: {  	s16 =	simm.s32 $0x0;
	p4 =	por $0x0, $0x0;
	[tilespmem:$0x1068] =	vst v0;
	s0 =	simm.s32 @!p0 $0x0  }
0x1b2: {  	s17 =	simm.s32 $0xC;
	s21 =	simm.s32 $0x0;
	[tilespmem:$0x1058] =	vst v0;
	s25 =	smulhi.u32 $0x4BDA12F7, s0  }
0x1b3: {  	s18 =	simm.s32 $0x0;
	s20 =	simm.s32 $0x0;
	s8 =	sand.u32 $0x1, s3;
	[tilespmem:$0x1048] =	vst v0  }
0x1b4: {  	s9 =	sadd.s32 $0x14C5800, s12;
	s14 =	smul.u32 $0x2710, s8;
	[tilespmem:$0x1038] =	vst v0;
	s2 =	sshrl.u32 s25, $0x7  }
0x1b5: {  	s31 =	sshll.u32 s4, $0x5;
	[tilespmem:$0x1018] =	vst v0;
	[sflag:s5] =	ssyncpa.u1 $0x0;
	v0 =	vimm.s32 $0xFFFFFFFF;
	s28 =	smul.u32 $0x1B0, s2  }
.Ltmp0:
0x1b6: {  	[dreg:$0x6] =	wrdreg s8;
	[tilespmem:$0x3648] =	vst v0;
	[sflag:s26] =	ssyncpa.u1 $0x0;
	(pc) =	sbr.rel .LBB2_1-.Ltmp0, $4  }
0x1b7: {  	[dreg:$0x5] =	wrdreg s31;
	[sflag:s29] =	ssyncpa.u1 $0x0;
	p0 =	sne.s32 s0, s28  }
0x1b8: {  	s10 =	sadd.s32 s14, s12;
	[sflag:s30] =	ssyncpa.u1 $0x0;
	s13 =	simm.s32 @!p0 $0x0  }
0x1b9: {  	s15 =	sadd.s32 $0x5000, s10;
	s19 =	smov.u32 s6;
	s13 =	sadd.s32 s13, s2  }
0x1ba: {  	v0 =	vlaneseq.u32;
	[dreg:$0x7] =	wrdreg s6;
	p0 =	por $0x1, $0x1;
	s12 =	sadd.s32 $0x1, s13  }
.LBB2_18:
0x1bb: {  	s0 =	simm.s32 $0x2  }
0x1bc: {  	_ =	swait.ge [sflag:s0], $0x0  }
0x1bd: {  	[sflag:s0] =	ssyncset.done $0x0;
	s0 =	simm.s32 $0x0  }
.LBB2_19:
0x1be: {  	_ =	swait.ge [sflag:s17], s0  }
0x1bf: {  	s31 =	ssub.s32 $0x0, s0;
	v1 =	vmov s23;
	vm0 =	veq.s32 v0, $0x0;
	[sflag:s17] =	ssyncset.done $0x0  }
0x1c0: {  	vm15 =	veq.s32 v0, $0x2;
	v1 =	vsel vm0, s28, v1;
	[sflag:s17] =	ssyncadd.s32 s31  }
0x1c1: {  	v1 =	vsel vm15, s21, v1;
	[sflag:s17] =	ssyncpa.u1 $0x1  }
0x1c2: {  	[tilespmem:$0x3648] =	vst v1  }
.LBB2_20:
0x1c3: {  	s0 =	sadd.s32 $0x1B0, s19  }
0x1c4: {  	s2 =	smov.u32 s6;
	p1 =	slt.s32 s0, s7  }
0x1c5: {  	s2 =	smov.u32 @p1 s0;
	p1 =	sne.s32 s20, s12  }
.Ltmp1:
0x1c6: {  	_ = 	snop;
	(pc) =	sbr.rel @!p1 .LBB2_21-.Ltmp1, $4  }
0x1c7: {  	_ = 	snop  }
0x1c8: {  	s21 =	smov.u32 s18  }
0x1c9: {  	s31 =	sadd.s32 $0x1, s20;
	s18 =	smov.u32 s19;
	p0 =	por !p0, !p0  }
0x1ca: {  	p4 =	por !p4, !p4;
	s20 =	smov.u32 s31;
	s19 =	smov.u32 s2  }
.LBB2_1:
0x1cb: {  	p2 =	sge.u32 s20, s13  }
0x1cc: {  	s0 =	smulhi.u32 @!p2 $0xAAAAAAAB, s20  }
0x1cd: {  	s2 =	smov.u32 s19;
	p3 =	sgt.s32 @!p2 s19, $0x136D0  }
0x1ce: {  	s3 =	sshra.s32 @!p2 s19, $0x1F;
	p3 =	por !p3, p2;
	s0 =	sshrl.u32 @!p2 s0, $0x1  }
0x1cf: {  	s3 =	sand.u32 @!p2 s3, s19;
	s2 =	simm.s32 @p3 $0x136D0;
	s0 =	smul.u32 @!p2 $0x3, s0  }
0x1d0: {  	s2 =	ssub.s32 @!p2 s2, s3  }
0x1d1: {  	s23 =	sadd.s32 $0xFFFFFFFF, s20;
	s2 =	sadd.s32 @!p2 $0xFFFEC930, s2;
	s0 =	ssub.s32 @!p2 s20, s0  }
0x1d2: {  	s3 =	sshll.u32 @!p2 s2, $0x2;
	p3 =	sgt.s32 @!p2 s2, $0x1AF;
	s0 =	smul.u32 @!p2 $0x6C0, s0  }
0x1d3: {  	s5 =	sand.u32 @!p2 $0x7, s19;
	s2 =	ssub.s32 @!p2 $0x6C0, s3;
	p3 =	por !p3, p2  }
0x1d4: {  	s3 =	sshrl.u32 @!p2 s19, $0x3;
	s2 =	sshrl.u32 @!p2 s2, $0x2;
	s0 =	sshrl.u32 @!p2 s0, $0x2  }
0x1d5: {  	s3 =	sadd.s32 @!p2 s3, s15;
	s2 =	simm.s32 @!p3 $0x0;
	s0 =	sadd.s32 @!p2 $0x3888, s0  }
0x1d6: {  	[tilespmem:s0], [sflag:$0xA] =	stream.linear.gather @!p2 [hbm4b:s3+s5], s2, $0x38;
	[tilespmem:$0x1F0F8] =	vst v63  }
0x1d7: {  	p2 =	sge.u32 s23, s13  }
0x1d8: {  	p3 =	sgt.s32 @!p2 s18, $0x136D0  }
0x1d9: {  	s0 =	smov.u32 s18;
	s2 =	sshra.s32 @!p2 s18, $0x1F;
	p3 =	por !p3, p2  }
0x1da: {  	s2 =	sand.u32 @!p2 s2, s18;
	s0 =	simm.s32 @p3 $0x136D0  }
0x1db: {  	s0 =	ssub.s32 @!p2 s0, s2  }
0x1dc: {  	s0 =	sadd.s32 @!p2 $0xFFFEC930, s0  }
0x1dd: {  	s2 =	sshll.u32 @!p2 s0, $0x2  }
0x1de: {  	p3 =	sgt.s32 @!p2 s0, $0x1AF;
	s0 =	ssub.s32 @!p2 $0x6C0, s2  }
0x1df: {  	s22 =	ssub.s32 @!p2 $0x13880, s18;
	p3 =	por !p3, p2;
	s0 =	sshrl.u32 @!p2 s0, $0x2  }
0x1e0: {  	s2 =	sand.u32 @!p2 $0x1, s23;
	s0 =	simm.s32 @!p3 $0x0;
	p3 =	slt.s32 @!p2 s22, $0x1  }
0x1e1: {  	s3 =	simm.s32 @!p2 $0xA;
	s2 =	smul.u32 @!p2 $0x6C0, s2;
	p3 =	por p2, p3  }
.Ltmp2:
0x1e2: {  	_ =	swait.ge @!p2 [sflag:s3], s0;
	(pc) =	sbr.rel @p3 .LBB2_7-.Ltmp2, $4  }
0x1e3: {  	s5 =	ssub.s32 @!p2 $0x0, s0;
	[sflag:s3] =	ssyncset.done @!p2 $0x0  }
0x1e4: {  	s2 =	sshrl.u32 @!p2 s2, $0x2;
	[sflag:s3] =	ssyncadd.s32 @!p2 s5;
	s3 =	sshrl.u32 @!p2 s18, $0x3  }
0x1e5: {  	s2 =	sadd.s32 @!p2 $0x3D98, s2;
	s5 =	sand.u32 @!p2 $0x7, s18;
	s3 =	sadd.s32 @!p2 s3, s10  }
0x1e6: {  	[tilespmem:s2], [sflag:$0xB] =	stream.linear.gather @!p2 [hbm4b:s3+s5], s0, $0x38;
	[tilespmem:$0x1F0F8] =	vst v63  }
0x1e7: {  	s0 =	smulhi.u32 $0xAAAAAAAB, s23;
	_ =	sdelay $0x1  }
0x1e8: {  	s0 =	sshrl.u32 s0, $0x1  }
0x1e9: {  	s0 =	smul.u32 $0x3, s0;
	_ =	sdelay $0x1  }
0x1ea: {  	s0 =	ssub.s32 s23, s0  }
0x1eb: {  	s2 =	simm.s32 $0x1;
	s0 =	smul.u32 $0x6C0, s0  }
.Ltmp3:
0x1ec: {  	s2 =	simm.s32 @!p0 $0x0;
	(pc) =	sbr.rel .LBB2_4-.Ltmp3, $4  }
0x1ed: {  	s2 =	smul.u32 $0x36000, s2  }
0x1ee: {  	p3 =	slt.s32 @!p2 s22, $0x1B0;
	s0 =	sshrl.u32 s0, $0x2  }
0x1ef: {  	p2 =	por !p3, p2;
	s2 =	sshrl.u32 s2, $0x2;
	s0 =	sadd.s32 $0x3888, s0  }
0x1f0: {  	s24 =	simm.s32 $0x0;
	s22 =	simm.s32 @p2 $0x1B0;
	s23 =	sadd.s32 $0x40F8, s2;
	v1 =	vmov s0  }
.LBB2_3:
0x1f1: {  	p2 =	sge.s32 s24, s22  }
.Ltmp4:
0x1f2: {  	_ = 	snop;
	(pc) =	sbr.rel @p2 .LBB2_7-.Ltmp4, $2  }
0x1f3: {  	_ =	sdelay $0x2  }
0x1f4: {  	s23 =	sadd.s32 $0x800, s23  }
.LBB2_4:
0x1f5: {  	p2 =	sle.s32 s22, s24  }
.Ltmp5:
0x1f6: {  	_ = 	snop;
	(pc) =	sbr.rel @p2 .LBB2_3-.Ltmp5, $2  }
0x1f7: {  	_ =	sdelay $0x2  }
0x1f8: {  	s0 =	smov.u32 s24;
	s24 =	sadd.s32 $0x10, s24  }
0x1f9: {  	s2 =	ssub.s32 s22, s0  }
0x1fa: {  	p2 =	slt.s32 s2, $0x10  }
0x1fb: {  	s2 =	simm.s32 @!p2 $0x10  }
0x1fc: {  	v2 =	vmov s2  }
0x1fd: {  	vm0 =	vgt.s32 v2, v0;
	_ =	sdelay $0x5  }
0x1fe: {  	v2 =	vld.idx.msk [tilespmem:v1+s0+$0x0 ss:$0x1], vm0;
	_ =	sdelay $0x2  }
0x1ff: {  	p2 =	slt.s32 s24, s22;
	s2 =	smov.u32 s22  }
0x200: {  	s3 =	smov.u32 s23;
	s25 =	simm.s32 $0x0;
	s2 =	smov.u32 @p2 s24  }
.LBB2_6:
0x201: {  	(v2sf) =	vpush v2, s25;
	_ =	sdelay $0xc  }
0x202: {  	s25 =	sadd.s32 $0x1, s25  }
0x203: {  	s31 =	sadd.s32 s25, s0  }
0x204: {  	p2 =	slt.s32 s31, s2;
	s5 =	spop (v2sf)  }
.Ltmp6:
0x205: {  	s5 =	sshll.u32 s5, $0x4;
	(pc) =	sbr.rel @p2 .LBB2_6-.Ltmp6, $4  }
0x206: {  	s5 =	sand.u32 $0x1FFFFFF0, s5  }
0x207: {  	s5 =	sadd.s32 s9, s5  }
0x208: {  	[tilespmem:s3], [sflag:$0x9] =	stream.linear.gather [hbm4b:s5+s16], $0x4, $0x38;
	[tilespmem:$0x1F0F8] =	vst v63  }
0x209: {  	s3 =	sadd.s32 $0x80, s3  }
.Ltmp7:
0x20a: {  	_ = 	snop;
	(pc) =	sbr.rel .LBB2_3-.Ltmp7, $1  }
0x20b: {  	_ =	sdelay $0x3  }
.LBB2_7:
0x20c: {  	p2 =	slt.u32 s20, $0x2  }
.Ltmp8:
0x20d: {  	_ = 	snop;
	(pc) =	sbr.rel @p2 .LBB2_20-.Ltmp8, $1  }
0x20e: {  	_ =	sdelay $0x3  }
0x20f: {  	p2 =	sgt.s32 s21, $0x136D0  }
0x210: {  	s0 =	smov.u32 s21;
	s2 =	sshra.s32 s21, $0x1F;
	s3 =	ssub.s32 $0x13880, s21  }
0x211: {  	s0 =	simm.s32 @!p2 $0x136D0;
	s2 =	sand.u32 s2, s21;
	p2 =	slt.s32 s3, $0x1B0  }
0x212: {  	s0 =	ssub.s32 s0, s2;
	s3 =	simm.s32 @!p2 $0x1B0  }
0x213: {  	s0 =	sadd.s32 $0xFFFEC930, s0;
	s24 =	sshll.u32 s3, $0x2  }
0x214: {  	s28 =	simm.s32 $0x9;
	s25 =	sshll.u32 s0, $0x2;
	s2 =	sand.u32 $0x3FFFFFFC, s24  }
0x215: {  	p2 =	sgt.s32 s0, $0x1AF;
	s26 =	ssub.s32 $0x6C0, s25;
	_ =	swait.ge [sflag:s28], s2  }
0x216: {  	s2 =	ssub.s32 $0x0, s2;
	[sflag:s28] =	ssyncset.done $0x0;
	s0 =	sshrl.u32 s26, $0x2  }
0x217: {  	s30 =	simm.s32 $0xB;
	[sflag:s28] =	ssyncadd.s32 s2;
	s0 =	simm.s32 @p2 $0x0  }
0x218: {  	_ =	swait.ge [sflag:s30], s0  }
0x219: {  	s0 =	ssub.s32 $0x0, s0;
	[sflag:s30] =	ssyncset.done $0x0  }
0x21a: {  	[sflag:s30] =	ssyncadd.s32 s0  }
0x21b: {  	v1 =	vld [tilespmem:$0x3648];
	_ =	sdelay $0x4  }
0x21c: {  	(v2sf) =	vpush v1, $0x0  }
0x21d: {  	(v2sf) =	vpush v1, $0x1  }
0x21e: {  	(v2sf) =	vpush v1, $0x2;
	_ =	sdelay $0x3  }
0x21f: {  	s0 =	sadd.s32 $0x1B0, s21  }
0x220: {  	s2 =	ssub.s32 $0x27100, s21;
	p2 =	slt.s32 s7, s0  }
0x221: {  	s0 =	smov.u32 @p2 s7;
	p2 =	sgt.s32 s2, $0x0  }
0x222: {  	s25 =	ssub.s32 s0, s21;
	s2 =	simm.s32 @!p2 $0x0  }
0x223: {  	p2 =	slt.s32 s2, s25  }
0x224: {  	s25 =	smov.u32 @p2 s2  }
0x225: {  	s24 =	simm.s32 $0x1;
	p2 =	slt.s32 s25, $0x1  }
.Ltmp9:
0x226: {  	s24 =	simm.s32 @!p4 $0x0;
	(pc) =	sbr.rel @p2 .LBB2_12-.Ltmp9, $4  }
0x227: {  	s31 =	smul.u32 $0x6C0, s24  }
0x228: {  	s26 =	spop (v2sf)  }
0x229: {  	s0 =	sshrl.u32 s31, $0x2;
	s29 =	spop (v2sf)  }
0x22a: {  	s22 =	sadd.s32 $0x3D98, s0;
	s21 =	spop (v2sf)  }
0x22b: {  	s0 =	smin.u32 s25, $0x10  }
0x22c: {  	v1 =	vmov s0  }
0x22d: {  	p3 =	sgt.s32 s25, $0x10;
	vm1 =	vgt.u32 v1, v0  }
.Ltmp10:
0x22e: {  	_ = 	snop;
	(pc) =	sbr.rel @!p3 .LBB2_11-.Ltmp10, $2  }
0x22f: {  	_ =	sdelay $0x2  }
0x230: {  	s23 =	simm.s32 $0x10;
	s28 =	sadd.s32 $0xFFFFFFF0, s25;
	s0 =	smov.u32 s22;
	vm0 =	vmmov vm1  }
.LBB2_10:
0x231: {  	s2 =	smin.u32 s28, $0x10;
	s23 =	sadd.s32 $0x10, s23;
	v1 =	vld.msk [tilespmem:s0+$0x0 ss:$0x1], vm1  }
0x232: {  	v2 =	vmov s2;
	p3 =	slt.s32 s23, s25  }
0x233: {  	vm1 =	vgt.u32 v2, v0  }
.Ltmp11:
0x234: {  	(pc) =	sbr.rel @p3 .LBB2_10-.Ltmp11, $3  }
0x235: {  	_ =	sdelay $0x1  }
0x236: {  	v1 =	vshll.u32 v1, $0x4  }
0x237: {  	s28 =	sadd.s32 $0xFFFFFFF0, s28;
	[tilespmem:s0+$0x0] =	vst.msk vm0, v1;
	s0 =	sadd.s32 $0x10, s0;
	vm0 =	vmmov vm1  }
.LBB2_11:
0x238: {  	_ =	sdelay $0x4  }
0x239: {  	v1 =	vld.msk [tilespmem:s0+$0x0 ss:$0x1], vm1;
	_ =	sdelay $0x4  }
0x23a: {  	v1 =	vshll.u32 v1, $0x4  }
0x23b: {  	[tilespmem:s0+$0x0] =	vst.msk vm0, v1  }
.LBB2_12:
0x23c: {  	s0 =	sand.u32 $0x1, s20  }
0x23d: {  	s0 =	smul.u32 $0x1B0, s0  }
0x23e: {  	p3 =	sne.s32 s29, $0xFFFFFFFF  }
0x23f: {  	v1 =	vld.msk @!p3 [tilespmem:s0+$0x3D98], $0x1;
	_ =	sdelay $0x4  }
0x240: {  	(v2sf) =	vpush @!p3 v1, $0x0;
	_ =	sdelay $0xc  }
.Ltmp12:
0x241: {  	_ = 	snop;
	(pc) =	sbr.rel @p2 .LBB2_18-.Ltmp12, $4  }
0x242: {  	_ = 	snop  }
0x243: {  	s28 =	spop @!p3 (v2sf)  }
0x244: {  	s21 =	simm.s32 @!p3 $0x0;
	s23 =	smov.u32 s28  }
0x245: {  	[sflag:s17] =	ssyncpa.u1 $0x0;
	s28 =	smov.u32 @p3 s26;
	s23 =	smov.u32 @p3 s29  }
0x246: {  	v1 =	vld.msk [tilespmem:s22+$0x0], $0x1;
	_ =	sdelay $0x4  }
0x247: {  	(v2sf) =	vpush v1, $0x0;
	_ =	sdelay $0xe  }
0x248: {  	s0 =	simm.s32 @!p4 $0x0;
	s26 =	smul.u32 $0x36000, s24;
	s31 =	spop (v2sf)  }
0x249: {  	s29 =	ssub.s32 $0x0, s25;
	s0 =	simm.s32 @p4 $0x1;
	p2 =	seq.s32 s28, s31  }
0x24a: {  	s2 =	smov.u32 s28;
	[smem:$0x7FD] =	sst s0;
	p3 =	sgt.s32 @!p2 s28, $0x0  }
0x24b: {  	s0 =	sshrl.u32 s26, $0x2;
	s26 =	sadd.s32 $0x1, s29;
	p3 =	por !p3, p2  }
0x24c: {  	s2 =	simm.s32 @p3 $0x0;
	p3 =	seq.s32 s26, $0x0  }
.Ltmp13:
0x24d: {  	_ = 	snop;
	(pc) =	sbr.rel @p3 .LBB2_15-.Ltmp13, $4  }
0x24e: {  	s6 =	smov.u32 s10;
	s25 =	simm.s32 $0x0  }
0x24f: {  	s24 =	sadd.s32 $0x40F8, s0;
	s0 =	simm.s32 @!p2 $0x1;
	s3 =	smin.u32 @!p2 s2, $0x270FF  }
0x250: {  	s30 =	sadd.s32 $0x1, s22;
	s0 =	smov.u32 @p2 s25;
	s5 =	sand.u32 @!p2 $0x3FFF8, s3  }
0x251: {  	s2 =	simm.s32 @!p2 $0x1B38;
	s3 =	sand.u32 @!p2 $0x7, s3;
	s5 =	sadd.s32 @!p2 s1, s5  }
.LBB2_14:
0x252: {  	s4 =	smov.u32 s0  }
0x253: {  	[tilespmem:s2], [sflag:$0x2] =	stream.linear.gather @!p2 [hbm4b:s5+s3], $0x4, $0x38;
	[tilespmem:$0x1F0F8] =	vst v63  }
0x254: {  	s26 =	sadd.s32 $0x1, s26;
	s3 =	smov.u32 s31;
	v1 =	vld.msk [tilespmem:s30+$0x0], $0x1  }
0x255: {  	p3 =	seq.s32 s26, $0x0;
	_ =	sdelay $0x3  }
0x256: {  	(v2sf) =	vpush v1, $0x0;
	_ =	sdelay $0xe  }
0x257: {  	s31 =	spop (v2sf)  }
0x258: {  	p2 =	seq.s32 s3, s31  }
0x259: {  	p4 =	sgt.s32 @!p2 s3, $0x0;
	s2 =	sshll.u32 @!p2 s0, $0x6;
	s0 =	sadd.s32 @!p2 $0x1, s0  }
.Ltmp14:
0x25a: {  	p4 =	por !p4, p2;
	s2 =	sshra.s32 @!p2 s2, $0x2;
	(pc) =	sbr.rel @!p3 .LBB2_14-.Ltmp14, $4  }
0x25b: {  	s0 =	smov.u32 @p2 s4;
	s3 =	simm.s32 @p4 $0x0;
	s2 =	sadd.s32 @!p2 $0x1B38, s2  }
0x25c: {  	s3 =	smin.u32 @!p2 s3, $0x270FF  }
0x25d: {  	s4 =	sand.u32 @!p2 $0x3FFF8, s3;
	s3 =	sand.u32 @!p2 $0x7, s3  }
0x25e: {  	s30 =	sadd.s32 $0x1, s30;
	s5 =	sadd.s32 @!p2 s1, s4  }
.LBB2_15:
0x25f: {  	[tilespmem:s2], [sflag:$0x2] =	stream.linear.gather @!p2 [hbm4b:s5+s3], $0x4, $0x38;
	[tilespmem:$0x1F0F8] =	vst v63  }
0x260: {  	s0 =	sshll.u32 s0, $0x2  }
0x261: {  	s31 =	simm.s32 $0x2;
	s0 =	sand.u32 $0x3FFFFFFC, s0  }
0x262: {  	_ =	swait.ge [sflag:s31], s0  }
0x263: {  	s0 =	ssub.s32 $0x0, s0;
	[sflag:s31] =	ssyncset.done $0x0  }
0x264: {  	[sflag:s31] =	ssyncadd.s32 s0  }
0x265: {  	v1 =	vld.msk [tilespmem:s22+$0x0], $0x1;
	_ =	sdelay $0x4  }
0x266: {  	(v2sf) =	vpush v1, $0x0;
	_ =	sdelay $0xe  }
0x267: {  	s26 =	spop (v2sf)  }
0x268: {  	p2 =	sne.s32 s28, s26  }
0x269: {  	p4 =	sne.s32 @p2 s28, s23  }
0x26a: {  	p3 =	por !p4, !p2  }
0x26b: {  	s0 =	simm.s32 @!p3 $0x0  }
0x26c: {  	v1 =	vld.msk @!p3 [tilespmem:s0+$0x1B38], $0xf  }
0x26d: {  	p5 =	sgt.u32 @!p3 s28, $0x270FF  }
0x26e: {  	s2 =	sshll.u32 @!p3 s21, $0x6;
	p6 =	por @p2 p5, !p4  }
0x26f: {  	s2 =	sshra.s32 @!p3 s2, $0x2;
	p1 =	por p6, !p2;
	p6 =	por p4, !p2  }
0x270: {  	s3 =	sadd.s32 @!p3 $0x28, s2;
	s4 =	sand.u32 @!p1 $0x3FFF8, s28;
	s5 =	sshll.u32 @!p6 s21, $0x6  }
0x271: {  	s28 =	sand.u32 @!p1 $0x7, s28;
	[tilespmem:s2+$0x28] =	vst.add.f32.msk @!p3 $0xf, v1;
	s2 =	sadd.s32 @!p1 s1, s4;
	s4 =	sshra.s32 @!p6 s5, $0x2  }
0x272: {  	[hbm4b:s2+s28] =	stream.linear.scatter @!p1 [tilespmem:s3], [sflag:$0xC], $0x4, $0x38;
	[tilespmem:$0x1F0F8] =	vst v63  }
0x273: {  	s0 =	rddreg [dreg:$0x5];
	s2 =	sadd.s32 @!p6 $0x28, s4;
	s3 =	simm.s32 @!p6 $0x1  }
0x274: {  	[spmem:s0] =	stream.linear.scatter @!p6 [tilespmem:s2], [sflag:$0x1], $0x4, $0x38;
	[tilespmem:$0x1F0F8] =	vst v63  }
0x275: {  	s0 =	sadd.s32 @p2 $0x1, s21;
	_ =	swait.ge @!p6 [sflag:s3], $0x4  }
0x276: {  	s2 =	sshrl.u32 @p2 s0, $0x4;
	[sflag:s3] =	ssyncset.done @!p6 $0x0  }
0x277: {  	s2 =	smulhi.u32 @p2 $0x97B425F, s2;
	[sflag:s3] =	ssyncadd.s32 @!p6 $0xFFFFFFFC  }
0x278: {  	s28 =	sadd.s32 $0x1, s29;
	v1 =	vld.msk @p2 [tilespmem:s24+$0x0], $0xf  }
0x279: {  	p1 =	por @p2 !p5, !p4;
	p4 =	seq.s32 s28, $0x0;
	s2 =	smul.u32 @p2 $0x1B0, s2  }
.Ltmp15:
0x27a: {  	p1 =	por !p1, !p2;
	s3 =	simm.s32 @!p3 $0x0;
	(pc) =	sbr.rel @p4 .LBB2_17-.Ltmp15, $4  }
0x27b: {  	s4 =	sshll.u32 @!p2 s21, $0x6;
	s3 =	simm.s32 @!p1 $0x10;
	s0 =	ssub.s32 @p2 s0, s2  }
0x27c: {  	s29 =	simm.s32 $0x0;
	s3 =	sadd.s32 @!p3 $0x0, s3;
	s5 =	sshll.u32 @p2 s0, $0x4  }
0x27d: {  	s30 =	sshra.s32 @!p2 s4, $0x2;
	s2 =	simm.s32 @p2 $0x1;
	s3 =	smov.u32 @p3 s25;
	[tilespmem:s5+$0x28] =	vst.msk @p2 $0xf, v1  }
0x27e: {  	s21 =	smov.u32 @p2 s0;
	s29 =	smov.u32 @p2 s3;
	s25 =	smov.u32 @p2 s2;
	v1 =	vld.msk @!p2 [tilespmem:s24+$0x0], $0xf  }
.LBB2_16:
0x27f: {  	_ =	sdelay $0x3  }
0x280: {  	s22 =	sadd.s32 $0x1, s22;
	[tilespmem:s30+$0x28] =	vst.add.f32.msk @!p2 $0xf, v1  }
0x281: {  	v1 =	vld.msk [tilespmem:s22+$0x0], $0x1;
	_ =	sdelay $0x4  }
0x282: {  	(v2sf) =	vpush v1, $0x0;
	_ =	sdelay $0xe  }
0x283: {  	s0 =	smov.u32 s26;
	s26 =	spop (v2sf)  }
0x284: {  	p2 =	sne.s32 s0, s26  }
0x285: {  	p5 =	sne.s32 @p2 s0, s23  }
0x286: {  	s4 =	sshll.u32 @!p2 s21, $0x6;
	p4 =	por !p5, !p2  }
0x287: {  	s30 =	sshra.s32 @!p2 s4, $0x2;
	s4 =	sshll.u32 @!p4 s25, $0x6  }
0x288: {  	s4 =	sshra.s32 @!p4 s4, $0x2  }
0x289: {  	p1 =	sgt.u32 @!p4 s0, $0x270FF;
	v1 =	vld.msk @!p4 [tilespmem:s4+$0x1B38], $0xf  }
0x28a: {  	s31 =	sshll.u32 @!p4 s21, $0x6;
	p6 =	por @p2 p1, !p5;
	p1 =	por @p2 !p1, !p5  }
0x28b: {  	s8 =	simm.s32 @!p4 $0x0;
	s31 =	sshra.s32 @!p4 s31, $0x2;
	p1 =	por !p1, !p2  }
0x28c: {  	p5 =	por p5, !p2;
	s8 =	simm.s32 @!p1 $0x10;
	p1 =	por p6, !p2  }
0x28d: {  	s4 =	sadd.s32 @!p4 $0x28, s31;
	s14 =	sshll.u32 @!p5 s21, $0x6;
	s11 =	sand.u32 @!p1 $0x3FFF8, s0  }
0x28e: {  	s14 =	sshra.s32 @!p5 s14, $0x2;
	s0 =	sand.u32 @!p1 $0x7, s0;
	s11 =	sadd.s32 @!p1 s1, s11;
	[tilespmem:s31+$0x28] =	vst.add.f32.msk @!p4 $0xf, v1  }
0x28f: {  	[hbm4b:s11+s0] =	stream.linear.scatter @!p1 [tilespmem:s4], [sflag:$0xC], $0x4, $0x38;
	[tilespmem:$0x1F0F8] =	vst v63  }
0x290: {  	s2 =	rddreg [dreg:$0x5];
	s0 =	sadd.s32 @!p5 $0x28, s14;
	s4 =	simm.s32 @!p5 $0x1  }
0x291: {  	[spmem:s2] =	stream.linear.scatter @!p5 [tilespmem:s0], [sflag:$0x1], $0x4, $0x38;
	[tilespmem:$0x1F0F8] =	vst v63  }
0x292: {  	s3 =	sadd.s32 @p2 $0x1, s21;
	_ =	swait.ge @!p5 [sflag:s4], $0x4  }
0x293: {  	s5 =	sshrl.u32 @p2 s3, $0x4;
	[sflag:s4] =	ssyncset.done @!p5 $0x0  }
0x294: {  	s24 =	sadd.s32 $0x80, s24;
	s5 =	smulhi.u32 @p2 $0x97B425F, s5;
	[sflag:s4] =	ssyncadd.s32 @!p5 $0xFFFFFFFC  }
0x295: {  	s28 =	sadd.s32 $0x1, s28;
	v1 =	vld.msk @p2 [tilespmem:s24+$0x0], $0xf  }
0x296: {  	p3 =	seq.s32 s28, $0x0;
	s5 =	smul.u32 @p2 $0x1B0, s5  }
.Ltmp16:
0x297: {  	_ = 	snop;
	(pc) =	sbr.rel @!p3 .LBB2_16-.Ltmp16, $4  }
0x298: {  	s3 =	ssub.s32 @p2 s3, s5  }
0x299: {  	s8 =	sadd.s32 @!p4 s8, s29;
	s5 =	sshll.u32 @p2 s3, $0x4  }
0x29a: {  	s10 =	sadd.s32 @p2 $0x1, s25;
	s8 =	smov.u32 @p4 s29;
	[tilespmem:s5+$0x28] =	vst.msk @p2 $0xf, v1  }
0x29b: {  	s25 =	smov.u32 @p2 s10;
	s21 =	smov.u32 @p2 s3;
	s29 =	smov.u32 @p2 s8;
	v1 =	vld.msk @!p2 [tilespmem:s24+$0x0], $0xf  }
.LBB2_17:
.Ltmp17:
0x29c: {  	_ = 	snop;
	(pc) =	sbr.rel .LBB2_19-.Ltmp17, $3  }
0x29d: {  	s2 =	sld [smem:$0x7FD];
	_ =	sdelay $0x1  }
0x29e: {  	s0 =	sshrl.u32 s29, $0x2;
	s28 =	smov.u32 s26  }
0x29f: {  	s10 =	smov.u32 s6;
	s6 =	rddreg [dreg:$0x7];
	p4 =	seq.s32 s2, $0x1;
	[tilespmem:s30+$0x28] =	vst.add.f32.msk @!p2 $0xf, v1  }
.LBB2_21:
0x2a0: {  	_ =	sfence.sel $0x180000  }
0x2a1: {  	s0 =	simm.s32 $0x9;
	[bflag:$0x0] =	sbarrier.arrive $0xFFFF  }
0x2a2: {  	s24 =	simm.s32 $0xA;
	[sflag:s0] =	ssyncpa.u1 $0x1  }
0x2a3: {  	s25 =	simm.s32 $0xB;
	[sflag:s24] =	ssyncpa.u1 $0x1  }
0x2a4: {  	s26 =	simm.s32 $0x2;
	[sflag:s25] =	ssyncpa.u1 $0x1  }
0x2a5: {  	[sflag:s26] =	ssyncpa.u1 $0x1  }
0x2a6: {  	v0 =	vld [tilespmem:$0x3648];
	_ =	sdelay $0x4  }
0x2a7: {  	(v2sf) =	vpush v0, $0x0  }
0x2a8: {  	(v2sf) =	vpush v0, $0x1;
	_ =	sdelay $0x1  }
0x2a9: {  	(v2sf) =	vpush v0, $0x2;
	_ =	sdelay $0xb  }
0x2aa: {  	s0 =	spop (v2sf)  }
0x2ab: {  	s2 =	spop (v2sf)  }
0x2ac: {  	s3 =	smov.u32 s0;
	p0 =	sne.s32 s0, s2  }
0x2ad: {  	s4 =	spop (v2sf);
	s3 =	simm.s32 @!p0 $0xFFFFFFFF  }
0x2ae: {  	v2 =	vimm.s32 $0x1;
	v3 =	vlaneseq.u32;
	p0 =	seq.s32 s4, $0xFFFFFFFF;
	v1 =	vmov s3  }
0x2af: {  	s16 =	stileid.u32;
	v0 =	vperm.xlane v0, v2;
	p1 =	sne.s32 @!p0 s0, s2;
	v1 =	vperm.xlane v1, v3  }
0x2b0: {  	vm0 =	vcmask $0x3F04;
	s6 =	simm.s32 $0x3648;
	s0 =	simm.s32 @!p0 $0x1;
	p1 =	por !p1, p0  }
0x2b1: {  	s3 =	sshll.u32 s16, $0x1;
	s2 =	sshll.u32 @!p0 s4, $0x6;
	s0 =	simm.s32 @p1 $0x0;
	v0 =	vsel vm0, v1, v0  }
0x2b2: {  	s5 =	sor.u32 $0x200, s3;
	s2 =	sshra.s32 @!p0 s2, $0x2;
	s0 =	sor.u32 @!p0 s0, s3;
	[tilespmem:$0x3648] =	vst v0  }
0x2b3: {  	[spmem:s5] =	stream.linear.scatter [tilespmem:s6], [sflag:$0x1], $0x2, $0x38;
	[tilespmem:$0x1F0F8] =	vst v63  }
0x2b4: {  	s2 =	sadd.s32 @!p0 $0x28, s2;
	s0 =	sshll.u32 @!p0 s0, $0x4  }
0x2b5: {  	[spmem:s0] =	stream.linear.scatter @!p0 [tilespmem:s2], [sflag:$0x1], $0x10, $0x38;
	[tilespmem:$0x1F0F8] =	vst v63  }
0x2b6: {  	s0 =	simm.s32 @!p0 $0x12  }
0x2b7: {  	s28 =	simm.s32 $0x1;
	s0 =	simm.s32 @p0 $0x2  }
0x2b8: {  	_ =	swait.ge [sflag:s28], s0  }
0x2b9: {  	s0 =	ssub.s32 $0x0, s0;
	[sflag:s28] =	ssyncset.done $0x0  }
0x2ba: {  	p0 =	sne.s32 s16, $0x0;
	[sflag:s28] =	ssyncadd.s32 s0  }
.Ltmp18:
0x2bb: {  	_ =	sfence.stream.spmem;
	(pc) =	sbr.rel @p0 .LBB2_38-.Ltmp18, $4  }
0x2bc: {  	s29 =	simm.s32 $0x3;
	[bflag:$0x0] =	sbarrier.arrive $0xFFFF  }
0x2bd: {  	s30 =	simm.s32 $0x4;
	[sflag:s29] =	ssyncpa.u1 $0x1  }
0x2be: {  	s31 =	simm.s32 $0x3C;
	[sflag:s30] =	ssyncpa.u1 $0x1  }
0x2bf: {  	s17 =	rddreg [dreg:$0x6];
	[sflag:s31] =	ssyncpa.u1 $0x1  }
0x2c0: {  	_ =	sfence.stream.spmem;
	s0 =	simm.s32 $0x5  }
0x2c1: {  	s2 =	simm.s32 $0x200;
	s3 =	simm.s32 $0x3658;
	[sflag:s0] =	ssyncpa.u1 $0x0  }
0x2c2: {  	[tilespmem:s3], [sflag:$0x5] =	stream.linear.gather [spmem:s2], $0x20, $0x38;
	[tilespmem:$0x1F0F8] =	vst v63  }
0x2c3: {  	s26 =	simm.s32 $0x0;
	s28 =	simm.s32 $0x3678  }
0x2c4: {  	[tilespmem:s28], [sflag:$0x5] =	stream.linear.gather [spmem:s26], $0x200, $0x38;
	[tilespmem:$0x1F0F8] =	vst v63  }
0x2c5: {  	_ =	swait.ge [sflag:s0], $0x220  }
0x2c6: {  	[sflag:s0] =	ssyncset.done $0x0  }
0x2c7: {  	s29 =	simm.s32 $0x0;
	[sflag:s0] =	ssyncadd.s32 $0xFFFFFDE0  }
0x2c8: {  	v0 =	vld.msk [tilespmem:s29+$0x3658], $0x1;
	_ =	sdelay $0x1  }
0x2c9: {  	s30 =	simm.s32 $0x1  }
0x2ca: {  	v1 =	vld.msk [tilespmem:s30+$0x3658], $0x1;
	_ =	sdelay $0x1  }
0x2cb: {  	(v2sf) =	vpush v0, $0x0;
	_ =	sdelay $0x2  }
0x2cc: {  	(v2sf) =	vpush v1, $0x0;
	_ =	sdelay $0x2  }
0x2cd: {  	s31 =	simm.s32 $0x2  }
0x2ce: {  	v0 =	vld.msk [tilespmem:s31+$0x3658], $0x1;
	_ =	sdelay $0x2  }
0x2cf: {  	s6 =	simm.s32 $0xFFFFFFFF;
	s2 =	simm.s32 $0xFFFFFFFF;
	s0 =	simm.s32 $0xC  }
.LBB2_23:
0x2d0: {  	s3 =	smov.u32 s6;
	s4 =	smov.u32 s2  }
0x2d1: {  	s2 =	sshra.s32 s0, $0x2;
	p1 =	sne.s32 s0, $0x7C;
	s0 =	sadd.s32 $0x4, s0;
	(v2sf) =	vpush v0, $0x0  }
0x2d2: {  	v0 =	vld.msk [tilespmem:s2+$0x3658], $0x1  }
.Ltmp19:
0x2d3: {  	(pc) =	sbr.rel @p1 .LBB2_23-.Ltmp19, $4  }
0x2d4: {  	s6 =	spop (v2sf)  }
0x2d5: {  	p2 =	sne.s32 s4, $0xFFFFFFFF;
	s2 =	smov.u32 s6  }
0x2d6: {  	p3 =	seq.s32 s6, $0xFFFFFFFF;
	s2 =	smov.u32 @p2 s4  }
0x2d7: {  	s6 =	smov.u32 @p3 s3;
	s2 =	smov.u32 @p3 s4  }
0x2d8: {  	(v2sf) =	vpush v0, $0x0;
	_ =	sdelay $0x8  }
0x2d9: {  	s0 =	spop (v2sf)  }
0x2da: {  	p1 =	sne.s32 s2, $0xFFFFFFFF;
	s3 =	smov.u32 s0  }
0x2db: {  	s9 =	simm.s32 $0x6;
	p2 =	seq.s32 s0, $0xFFFFFFFF;
	s3 =	smov.u32 @p1 s2  }
0x2dc: {  	s10 =	simm.s32 $0x3638;
	s3 =	smov.u32 @p2 s2;
	s2 =	spop (v2sf)  }
0x2dd: {  	s0 =	smov.u32 @p2 s6;
	p1 =	sne.s32 s3, $0xFFFFFFFF;
	s4 =	smov.u32 s2  }
.Ltmp20:
0x2de: {  	p2 =	seq.s32 s2, $0xFFFFFFFF;
	s4 =	smov.u32 @p1 s3;
	(pc) =	sbr.rel .LBB2_25-.Ltmp20, $4  }
0x2df: {  	s11 =	simm.s32 $0x0;
	s4 =	smov.u32 @p2 s3;
	s7 =	spop (v2sf)  }
0x2e0: {  	[sflag:s9] =	ssyncpa.u1 $0x0;
	p1 =	sne.s32 s4, $0xFFFFFFFF;
	s8 =	smov.u32 s7  }
0x2e1: {  	s2 =	smov.u32 @p2 s0;
	p2 =	seq.s32 s7, $0xFFFFFFFF;
	s8 =	smov.u32 @p1 s4  }
0x2e2: {  	s6 =	simm.s32 $0x0;
	s7 =	smov.u32 @p2 s2;
	s8 =	smov.u32 @p2 s4  }
.LBB2_30:
0x2e3: {  	p1 =	sgt.u32 s12, $0x270FF  }
0x2e4: {  	p2 =	seq.s32 @!p1 s12, s8  }
0x2e5: {  	p1 =	por p1, p2  }
0x2e6: {  	p2 =	sne.s32 @!p1 s12, s7  }
0x2e7: {  	p1 =	por p1, !p2  }
0x2e8: {  	s0 =	sshll.u32 @p1 s11, $0x6  }
0x2e9: {  	s0 =	sand.u32 @!p1 $0x3FFF8, s12  }
0x2ea: {  	s2 =	sand.u32 @!p1 $0x7, s12;
	s0 =	sadd.s32 @!p1 s1, s0  }
0x2eb: {  	[tilespmem:s10], [sflag:$0x6] =	stream.linear.gather @!p1 [hbm4b:s0+s2], $0x4, $0x38;
	[tilespmem:$0x1F0F8] =	vst v63  }
0x2ec: {  	_ =	swait.ge @!p1 [sflag:s9], $0x4  }
0x2ed: {  	[sflag:s9] =	ssyncset.done @!p1 $0x0  }
0x2ee: {  	[sflag:s9] =	ssyncadd.s32 @!p1 $0xFFFFFFFC  }
0x2ef: {  	v1 =	vld @!p1 [tilespmem:$0x3638];
	_ =	sdelay $0x2  }
0x2f0: {  	s0 =	sshll.u32 @!p1 s11, $0x6  }
0x2f1: {  	s2 =	sshrl.u32 @!p1 s0, $0x2  }
0x2f2: {  	[tilespmem:s2+$0x3678] =	vst.add.f32.msk @!p1 $0xffff, v1  }
0x2f3: {  	s0 =	sshrl.u32 s0, $0x2;
	[tilespmem:s6+$0x3658] =	vst.msk $0x1, v0  }
0x2f4: {  	v0 =	vld [tilespmem:s0+$0x3678];
	_ =	sdelay $0x2  }
0x2f5: {  	s31 =	sshll.u32 s6, $0x6  }
0x2f6: {  	s0 =	sshra.s32 s31, $0x2  }
0x2f7: {  	s6 =	sadd.s32 $0x1, s6;
	[tilespmem:s0+$0x3678] =	vst v0  }
.LBB2_32:
0x2f8: {  	s11 =	sadd.s32 $0x1, s11  }
0x2f9: {  	p1 =	sne.s32 s11, $0x20  }
.Ltmp21:
0x2fa: {  	_ = 	snop;
	(pc) =	sbr.rel @!p1 .LBB2_33-.Ltmp21, $1  }
0x2fb: {  	_ =	sdelay $0x3  }
.LBB2_25:
0x2fc: {  	v0 =	vld.msk [tilespmem:s11+$0x3658], $0x1;
	_ =	sdelay $0x4  }
0x2fd: {  	(v2sf) =	vpush v0, $0x0;
	_ =	sdelay $0xe  }
0x2fe: {  	s12 =	spop (v2sf)  }
0x2ff: {  	p1 =	seq.s32 s12, $0xFFFFFFFF  }
.Ltmp22:
0x300: {  	_ = 	snop;
	(pc) =	sbr.rel @p1 .LBB2_32-.Ltmp22, $1  }
0x301: {  	_ =	sdelay $0x3  }
0x302: {  	p1 =	slt.s32 s6, $0x1  }
.Ltmp23:
0x303: {  	_ = 	snop;
	(pc) =	sbr.rel @p1 .LBB2_30-.Ltmp23, $1  }
0x304: {  	_ =	sdelay $0x3  }
0x305: {  	s13 =	simm.s32 $0x3658;
	p1 =	por $0x0, $0x0  }
0x306: {  	v1 =	vld.msk @!p1 [tilespmem:s13+$0x0], $0x1;
	_ =	sdelay $0x4  }
0x307: {  	(v2sf) =	vpush @!p1 v1, $0x0;
	_ =	sdelay $0xd  }
0x308: {  	p3 =	sne.s32 s6, $0x1  }
.Ltmp24:
0x309: {  	s0 =	spop @!p1 (v2sf);
	(pc) =	sbr.rel @!p3 .LBB2_29-.Ltmp24, $4  }
0x30a: {  	p2 =	seq.s32 @!p1 s12, s0  }
0x30b: {  	s14 =	simm.s32 $0x0;
	p2 =	por !p2, p1  }
0x30c: {  	s0 =	simm.s32 $0xFFFFFFFF;
	s14 =	simm.s32 @p2 $0xFFFFFFFF  }
0x30d: {  	s15 =	simm.s32 $0x1;
	s14 =	smov.u32 @p1 s0  }
.LBB2_28:
0x30e: {  	s0 =	smov.u32 s14;
	p1 =	sne.s32 s14, $0xFFFFFFFF  }
0x30f: {  	s13 =	sadd.s32 $0x1, s13;
	s14 =	smov.u32 s15;
	s15 =	sadd.s32 $0x1, s15  }
0x310: {  	p2 =	sne.s32 s6, s15;
	v1 =	vld.msk @!p1 [tilespmem:s13+$0x0], $0x1;
	_ =	sdelay $0x4  }
0x311: {  	(v2sf) =	vpush @!p1 v1, $0x0;
	_ =	sdelay $0xe  }
.Ltmp25:
0x312: {  	s2 =	spop @!p1 (v2sf);
	(pc) =	sbr.rel @p2 .LBB2_28-.Ltmp25, $4  }
0x313: {  	p3 =	seq.s32 @!p1 s12, s2  }
0x314: {  	p3 =	por !p3, p1  }
0x315: {  	s14 =	simm.s32 @p3 $0xFFFFFFFF  }
0x316: {  	s14 =	smov.u32 @p1 s0  }
.LBB2_29:
0x317: {  	p1 =	sne.s32 s14, $0xFFFFFFFF  }
.Ltmp26:
0x318: {  	_ = 	snop;
	(pc) =	sbr.rel @!p1 .LBB2_30-.Ltmp26, $1  }
0x319: {  	_ =	sdelay $0x3  }
0x31a: {  	s0 =	sshll.u32 s11, $0x4  }
0x31b: {  	s0 =	sand.u32 $0x3FFFFFF0, s0  }
0x31c: {  	v0 =	vld [tilespmem:s0+$0x3678]  }
.Ltmp27:
0x31d: {  	_ = 	snop;
	(pc) =	sbr.rel .LBB2_32-.Ltmp27, $4  }
0x31e: {  	_ = 	snop  }
0x31f: {  	s31 =	sshll.u32 s14, $0x6  }
0x320: {  	s0 =	sshra.s32 s31, $0x2  }
0x321: {  	[tilespmem:s0+$0x3678] =	vst.add.f32.msk $0xffff, v0  }
.LBB2_33:
0x322: {  	s0 =	simm.s32 $0x6;
	p1 =	seq.s32 s6, $0x0  }
0x323: {  	[sflag:s0] =	ssyncpa.u1 $0x1;
	v0 =	vimm.s32 @p1 $0xFFFFFFFF  }
0x324: {  	s9 =	sadd.s32 $0xFFFFFFFF, s6;
	[tilespmem:$0x3878] =	vst @p1 v0  }
0x325: {  	v0 =	vld.msk @!p1 [tilespmem:s9+$0x3658], $0x1;
	_ =	sdelay $0x1  }
0x326: {  	v1 =	vld.msk @!p1 [tilespmem:$0x3658], $0x1;
	_ =	sdelay $0x2  }
0x327: {  	p2 =	seq.s32 @!p1 s9, $0x0;
	v0 =	vbroadcast @!p1 v0, $0x0  }
0x328: {  	vm0 =	vmmov @!p1 $0x1;
	p2 =	por !p2, p1  }
0x329: {  	v1 =	vnsel @!p1 vm0, $0xFFFFFFFF, v1;
	vm0 =	vcmask @!p1 $0x308;
	v0 =	vpsel !p2, $0xFFFFFFFF, v0  }
0x32a: {  	p2 =	sne.s32 @!p1 s8, s7;
	v0 =	vsel @!p1 vm0, v1, v0  }
0x32b: {  	s0 =	simm.s32 @!p1 $0x3678;
	s2 =	simm.s32 @!p1 $0x0;
	p3 =	por !p2, p1;
	[tilespmem:$0x3878] =	vst @!p1 v0  }
0x32c: {  	[spmem:s2] =	stream.linear.scatter @!p1 [tilespmem:s0], [sflag:$0x1], $0x10, $0x38;
	[tilespmem:$0x1F0F8] =	vst v63  }
0x32d: {  	s0 =	sshll.u32 @!p3 s9, $0x6  }
0x32e: {  	s0 =	sshra.s32 @!p3 s0, $0x2  }
0x32f: {  	s2 =	simm.s32 @!p3 $0x10;
	s0 =	sadd.s32 @!p3 $0x3678, s0  }
0x330: {  	[spmem:s2] =	stream.linear.scatter @!p3 [tilespmem:s0], [sflag:$0x1], $0x10, $0x38;
	[tilespmem:$0x1F0F8] =	vst v63  }
0x331: {  	s0 =	simm.s32 @!p3 $0x1  }
0x332: {  	_ =	swait.ge @!p3 [sflag:s0], $0x20  }
0x333: {  	p1 =	por p2, p1;
	[sflag:s0] =	ssyncset.done @!p3 $0x0  }
0x334: {  	[sflag:s0] =	ssyncadd.s32 @!p3 $0xFFFFFFE0;
	s0 =	simm.s32 @!p1 $0x1  }
0x335: {  	_ =	swait.ge @!p1 [sflag:s0], $0x10  }
0x336: {  	s29 =	simm.s32 $0x3878;
	[sflag:s0] =	ssyncset.done @!p1 $0x0  }
0x337: {  	s30 =	simm.s32 $0x200;
	s31 =	simm.s32 $0x1;
	[sflag:s0] =	ssyncadd.s32 @!p1 $0xFFFFFFF0  }
0x338: {  	[spmem:s30] =	stream.linear.scatter [tilespmem:s29], [sflag:$0x1], $0x10, $0x38;
	[tilespmem:$0x1F0F8] =	vst v63  }
0x339: {  	_ =	swait.ge [sflag:s31], $0x10  }
0x33a: {  	[sflag:s31] =	ssyncset.done $0x0  }
0x33b: {  	p1 =	seq.s32 s17, $0x0;
	s8 =	rddreg [dreg:$0x2];
	[sflag:s31] =	ssyncadd.s32 $0xFFFFFFF0  }
0x33c: {  	s2 =	sshll.u32 @p1 s8, $0xE;
	s7 =	rddreg [dreg:$0x3]  }
0x33d: {  	s0 =	sadd.s32 @p1 $0x15C3C, s2;
	s2 =	sshll.u32 @p1 s7, $0x11  }
0x33e: {  	_ =	sfence.stream.spmem;
	s0 =	sor.u32 @p1 s2, s0  }
0x33f: {  	[sflag:s0] =	ssyncadd.remote.s32 @p1 $0x1;
	s0 =	simm.s32 @p1 $0x4  }
0x340: {  	s3 =	simm.s32 @!p1 $0x3C;
	s2 =	sand.u32 $0xFFFFFFFE, s8;
	_ =	swait.ge @p1 [sflag:s0], $0x6  }
0x341: {  	s4 =	simm.s32 @!p1 $0x0;
	s2 =	sadd.s32 @!p1 $0x4, s2;
	[sflag:s0] =	ssyncset.done @p1 $0x0  }
0x342: {  	s5 =	simm.s32 @!p1 $0x20;
	[sflag:s0] =	ssyncadd.s32 @p1 $0xFFFFFFFA;
	s0 =	sshll.u32 @!p1 s2, $0x1A  }
0x343: {  	s2 =	sshll.u32 @!p1 s2, $0xD;
	s0 =	sor.u32 @!p1 s0, s7;
	_ =	swait.eq @!p1 [sflag:s3], $0x1  }
0x344: {  	s2 =	sor.u32 @!p1 $0x1C04, s2;
	s3 =	simm.s32 @!p1 $0x1C03;
	s0 =	sor.u32 @!p1 $0x80004000, s0  }
0x345: {  	[spmem:s5], [sflag:s2] =	dma.general @!p1 [spmem:s4], [sflag:s3], length:$0x4, [dreg:$0x0], stride_count:$0x0, ici_dest:s0, dma_misc:DstOpCode:WRITE  }
0x346: {  	p2 =	slt.s32 s9, $0x2;
	s4 =	simm.s32 @!p1 $0x40;
	s5 =	simm.s32 @!p1 $0x42  }
0x347: {  	[spmem:s5], [sflag:s2] =	dma.general @!p1 [spmem:s4], [sflag:s3], length:$0x2, [dreg:$0x0], stride_count:$0x0, ici_dest:s0, dma_misc:DstOpCode:WRITE  }
.Ltmp28:
0x348: {  	s0 =	simm.s32 @!p1 $0x3;
	(pc) =	sbr.rel @p2 .LBB2_37-.Ltmp28, $4  }
0x349: {  	s2 =	sshll.u32 @!p1 s8, $0xE;
	_ =	swait.ge @!p1 [sflag:s0], $0x6  }
0x34a: {  	s3 =	sshll.u32 @!p1 s7, $0x11;
	s2 =	sadd.s32 @!p1 $0x11C3C, s2;
	[sflag:s0] =	ssyncset.done @!p1 $0x0  }
0x34b: {  	[sflag:s0] =	ssyncadd.s32 @!p1 $0xFFFFFFFA;
	s0 =	sor.u32 @!p1 s3, s2  }
0x34c: {  	[sflag:s0] =	ssyncadd.remote.s32 @!p1 $0xFFFFFFFF;
	s0 =	simm.s32 $0x0  }
0x34d: {  	s0 =	simm.s32 $0x3659  }
0x34e: {  	v0 =	vld.msk [tilespmem:s0+$0x0], $0x1;
	_ =	sdelay $0x4  }
0x34f: {  	(v2sf) =	vpush v0, $0x0;
	_ =	sdelay $0xd  }
0x350: {  	s3 =	sadd.s32 $0xFFFFFFFE, s6  }
0x351: {  	s3 =	sadd.s32 $0xFFFFFFFF, s3;
	s0 =	spop (v2sf)  }
0x352: {  	p2 =	sne.s32 s3, $0x0;
	p1 =	sgt.u32 s0, $0x270FF  }
.Ltmp29:
0x353: {  	s4 =	sand.u32 @!p1 $0x3FFF8, s0;
	(pc) =	sbr.rel @!p2 .LBB2_36-.Ltmp29, $4  }
0x354: {  	s2 =	simm.s32 $0x3688;
	s0 =	sand.u32 @!p1 $0x7, s0;
	s4 =	sadd.s32 @!p1 s1, s4  }
0x355: {  	[hbm4b:s4+s0] =	stream.linear.scatter @!p1 [tilespmem:s2], [sflag:$0x5], $0x4, $0x38;
	[tilespmem:$0x1F0F8] =	vst v63  }
0x356: {  	s0 =	simm.s32 $0x0  }
0x357: {  	s6 =	simm.s32 $0x0;
	s7 =	simm.s32 $0x365A;
	s0 =	simm.s32 @!p1 $0x10  }
.LBB2_35:
0x358: {  	v0 =	vld.msk [tilespmem:s7+$0x0], $0x1;
	s3 =	sadd.s32 $0xFFFFFFFF, s3;
	s6 =	sadd.s32 s6, s0  }
0x359: {  	p1 =	sne.s32 s3, $0x0;
	_ =	sdelay $0x3  }
0x35a: {  	(v2sf) =	vpush v0, $0x0;
	_ =	sdelay $0xe  }
.Ltmp30:
0x35b: {  	s4 =	spop (v2sf);
	(pc) =	sbr.rel @p1 .LBB2_35-.Ltmp30, $4  }
0x35c: {  	s0 =	simm.s32 $0x0;
	p2 =	sgt.u32 s4, $0x270FF  }
0x35d: {  	s2 =	sadd.s32 $0x10, s2;
	s0 =	simm.s32 @!p2 $0x10;
	s5 =	sand.u32 @!p2 $0x3FFF8, s4  }
0x35e: {  	s7 =	sadd.s32 $0x1, s7;
	s4 =	sand.u32 @!p2 $0x7, s4;
	s5 =	sadd.s32 @!p2 s1, s5  }
0x35f: {  	[hbm4b:s5+s4] =	stream.linear.scatter @!p2 [tilespmem:s2], [sflag:$0x5], $0x4, $0x38;
	[tilespmem:$0x1F0F8] =	vst v63  }
.LBB2_36:
0x360: {  	s0 =	sadd.s32 s6, s0  }
0x361: {  	s0 =	sshrl.u32 s0, $0x2  }
.LBB2_37:
0x362: {  	s2 =	simm.s32 $0x5  }
0x363: {  	_ =	swait.ge [sflag:s2], s0  }
0x364: {  	s31 =	ssub.s32 $0x0, s0;
	[sflag:s2] =	ssyncset.done $0x0  }
0x365: {  	[sflag:s2] =	ssyncadd.s32 s31  }
0x366: {  	[sflag:s2] =	ssyncpa.u1 $0x1  }
.LBB2_38:
0x367: {  	s0 =	sor.u32 s17, s16  }
0x368: {  	p1 =	sne.s32 s0, $0x0  }
.Ltmp31:
0x369: {  	_ = 	snop;
	(pc) =	sbr.rel @p1 .LBB2_53-.Ltmp31, $3  }
0x36a: {  	_ =	sdelay $0x1  }
0x36b: {  	[bflag:$0x0] =	sbarrier.arrive $0xFFFF  }
0x36c: {  	_ =	sfence  }
0x36d: {  	s0 =	simm.s32 $0x7  }
0x36e: {  	s2 =	simm.s32 $0x200;
	s3 =	simm.s32 $0x3658;
	[sflag:s0] =	ssyncpa.u1 $0x0  }
0x36f: {  	[tilespmem:s3], [sflag:$0x7] =	stream.linear.gather [spmem:s2], $0x20, $0x38;
	[tilespmem:$0x1F0F8] =	vst v63  }
0x370: {  	s30 =	simm.s32 $0x3678;
	s2 =	simm.s32 $0x0  }
0x371: {  	[tilespmem:s30], [sflag:$0x7] =	stream.linear.gather [spmem:s2], $0x200, $0x38;
	[tilespmem:$0x1F0F8] =	vst v63  }
.Ltmp32:
0x372: {  	_ = 	snop;
	(pc) =	sbr.rel .LBB2_40-.Ltmp32, $4  }
0x373: {  	_ =	swait.ge [sflag:s0], $0x220  }
0x374: {  	[sflag:s0] =	ssyncset.done $0x0  }
0x375: {  	s31 =	simm.s32 $0x8;
	[sflag:s0] =	ssyncadd.s32 $0xFFFFFDE0  }
0x376: {  	s3 =	simm.s32 $0x0;
	[sflag:s31] =	ssyncpa.u1 $0x0  }
.LBB2_45:
0x377: {  	p1 =	slt.u32 s4, $0x27100  }
0x378: {  	s0 =	sand.u32 @p1 $0x3FFF8, s4  }
0x379: {  	s4 =	sand.u32 @p1 $0x7, s4;
	s5 =	simm.s32 @p1 $0x3638;
	s0 =	sadd.s32 @p1 s1, s0  }
0x37a: {  	[tilespmem:s5], [sflag:$0x8] =	stream.linear.gather @p1 [hbm4b:s0+s4], $0x4, $0x38;
	[tilespmem:$0x1F0F8] =	vst v63  }
0x37b: {  	s0 =	simm.s32 @p1 $0x8  }
0x37c: {  	_ =	swait.ge @p1 [sflag:s0], $0x4  }
0x37d: {  	[sflag:s0] =	ssyncset.done @p1 $0x0  }
0x37e: {  	[sflag:s0] =	ssyncadd.s32 @p1 $0xFFFFFFFC  }
0x37f: {  	v1 =	vld @p1 [tilespmem:$0x3638];
	_ =	sdelay $0x2  }
0x380: {  	s0 =	sshll.u32 @p1 s3, $0x6  }
0x381: {  	s5 =	sshll.u32 @!p1 s3, $0x6;
	s4 =	sshrl.u32 @p1 s0, $0x2  }
0x382: {  	s5 =	smov.u32 @p1 s0;
	[tilespmem:s4+$0x3678] =	vst.add.f32.msk @p1 $0xffff, v1  }
0x383: {  	s0 =	sshrl.u32 s5, $0x2;
	[tilespmem:s2+$0x3658] =	vst.msk $0x1, v0  }
0x384: {  	v0 =	vld [tilespmem:s0+$0x3678];
	_ =	sdelay $0x2  }
0x385: {  	s31 =	sshll.u32 s2, $0x6  }
0x386: {  	s0 =	sshra.s32 s31, $0x2  }
0x387: {  	s2 =	sadd.s32 $0x1, s2;
	[tilespmem:s0+$0x3678] =	vst v0  }
.LBB2_47:
0x388: {  	s3 =	sadd.s32 $0x1, s3  }
0x389: {  	p1 =	sne.s32 s3, $0x20  }
.Ltmp33:
0x38a: {  	_ = 	snop;
	(pc) =	sbr.rel @!p1 .LBB2_48-.Ltmp33, $1  }
0x38b: {  	_ =	sdelay $0x3  }
.LBB2_40:
0x38c: {  	v0 =	vld.msk [tilespmem:s3+$0x3658], $0x1;
	_ =	sdelay $0x4  }
0x38d: {  	(v2sf) =	vpush v0, $0x0;
	_ =	sdelay $0xe  }
0x38e: {  	s4 =	spop (v2sf)  }
0x38f: {  	p1 =	seq.s32 s4, $0xFFFFFFFF  }
.Ltmp34:
0x390: {  	_ = 	snop;
	(pc) =	sbr.rel @p1 .LBB2_47-.Ltmp34, $1  }
0x391: {  	_ =	sdelay $0x3  }
0x392: {  	p1 =	slt.s32 s2, $0x1  }
.Ltmp35:
0x393: {  	_ = 	snop;
	(pc) =	sbr.rel @p1 .LBB2_45-.Ltmp35, $1  }
0x394: {  	_ =	sdelay $0x3  }
0x395: {  	s5 =	simm.s32 $0x3658;
	p1 =	por $0x0, $0x0  }
0x396: {  	v1 =	vld.msk @!p1 [tilespmem:s5+$0x0], $0x1;
	_ =	sdelay $0x4  }
0x397: {  	(v2sf) =	vpush @!p1 v1, $0x0;
	_ =	sdelay $0xd  }
0x398: {  	p3 =	sne.s32 s2, $0x1  }
.Ltmp36:
0x399: {  	s0 =	spop @!p1 (v2sf);
	(pc) =	sbr.rel @!p3 .LBB2_44-.Ltmp36, $4  }
0x39a: {  	p2 =	seq.s32 @!p1 s4, s0  }
0x39b: {  	s6 =	simm.s32 $0x0;
	p2 =	por !p2, p1  }
0x39c: {  	s0 =	simm.s32 $0xFFFFFFFF;
	s6 =	simm.s32 @p2 $0xFFFFFFFF  }
0x39d: {  	s7 =	simm.s32 $0x1;
	s6 =	smov.u32 @p1 s0  }
.LBB2_43:
0x39e: {  	s0 =	smov.u32 s6;
	p1 =	sne.s32 s6, $0xFFFFFFFF  }
0x39f: {  	s5 =	sadd.s32 $0x1, s5;
	s6 =	smov.u32 s7;
	s7 =	sadd.s32 $0x1, s7  }
0x3a0: {  	p2 =	sne.s32 s2, s7;
	v1 =	vld.msk @!p1 [tilespmem:s5+$0x0], $0x1;
	_ =	sdelay $0x4  }
0x3a1: {  	(v2sf) =	vpush @!p1 v1, $0x0;
	_ =	sdelay $0xe  }
.Ltmp37:
0x3a2: {  	s8 =	spop @!p1 (v2sf);
	(pc) =	sbr.rel @p2 .LBB2_43-.Ltmp37, $4  }
0x3a3: {  	p3 =	seq.s32 @!p1 s4, s8  }
0x3a4: {  	p3 =	por !p3, p1  }
0x3a5: {  	s6 =	simm.s32 @p3 $0xFFFFFFFF  }
0x3a6: {  	s6 =	smov.u32 @p1 s0  }
.LBB2_44:
0x3a7: {  	p1 =	sne.s32 s6, $0xFFFFFFFF  }
.Ltmp38:
0x3a8: {  	_ = 	snop;
	(pc) =	sbr.rel @!p1 .LBB2_45-.Ltmp38, $1  }
0x3a9: {  	_ =	sdelay $0x3  }
0x3aa: {  	s0 =	sshll.u32 s3, $0x4  }
0x3ab: {  	s0 =	sand.u32 $0x3FFFFFF0, s0  }
0x3ac: {  	v0 =	vld [tilespmem:s0+$0x3678]  }
.Ltmp39:
0x3ad: {  	_ = 	snop;
	(pc) =	sbr.rel .LBB2_47-.Ltmp39, $4  }
0x3ae: {  	_ = 	snop  }
0x3af: {  	s31 =	sshll.u32 s6, $0x6  }
0x3b0: {  	s0 =	sshra.s32 s31, $0x2  }
0x3b1: {  	[tilespmem:s0+$0x3678] =	vst.add.f32.msk $0xffff, v0  }
.LBB2_48:
0x3b2: {  	p1 =	slt.s32 s2, $0x1  }
.Ltmp40:
0x3b3: {  	_ = 	snop;
	(pc) =	sbr.rel @p1 .LBB2_52-.Ltmp40, $3  }
0x3b4: {  	_ =	sdelay $0x1  }
0x3b5: {  	s0 =	simm.s32 $0x8  }
0x3b6: {  	s3 =	simm.s32 $0x0;
	[sflag:s0] =	ssyncpa.u1 $0x1  }
0x3b7: {  	s0 =	simm.s32 $0x3658  }
0x3b8: {  	v0 =	vld.msk [tilespmem:s0+$0x0], $0x1;
	_ =	sdelay $0x4  }
0x3b9: {  	(v2sf) =	vpush v0, $0x0;
	_ =	sdelay $0xe  }
0x3ba: {  	s2 =	sadd.s32 $0xFFFFFFFF, s2;
	s0 =	spop (v2sf)  }
0x3bb: {  	p2 =	sne.s32 s2, $0x0;
	p1 =	sgt.u32 s0, $0x270FF  }
.Ltmp41:
0x3bc: {  	s5 =	sand.u32 @!p1 $0x3FFF8, s0;
	(pc) =	sbr.rel @!p2 .LBB2_51-.Ltmp41, $4  }
0x3bd: {  	s4 =	simm.s32 $0x3678;
	s0 =	sand.u32 @!p1 $0x7, s0;
	s5 =	sadd.s32 @!p1 s1, s5  }
0x3be: {  	[hbm4b:s5+s0] =	stream.linear.scatter @!p1 [tilespmem:s4], [sflag:$0x7], $0x4, $0x38;
	[tilespmem:$0x1F0F8] =	vst v63  }
0x3bf: {  	s0 =	simm.s32 $0x0  }
0x3c0: {  	s5 =	simm.s32 $0x3659;
	s0 =	simm.s32 @!p1 $0x10  }
.LBB2_50:
0x3c1: {  	v0 =	vld.msk [tilespmem:s5+$0x0], $0x1;
	s2 =	sadd.s32 $0xFFFFFFFF, s2;
	s3 =	sadd.s32 s3, s0  }
0x3c2: {  	p1 =	sne.s32 s2, $0x0;
	_ =	sdelay $0x3  }
0x3c3: {  	(v2sf) =	vpush v0, $0x0;
	_ =	sdelay $0xe  }
.Ltmp42:
0x3c4: {  	s6 =	spop (v2sf);
	(pc) =	sbr.rel @p1 .LBB2_50-.Ltmp42, $4  }
0x3c5: {  	s0 =	simm.s32 $0x0;
	p2 =	sgt.u32 s6, $0x270FF  }
0x3c6: {  	s4 =	sadd.s32 $0x10, s4;
	s0 =	simm.s32 @!p2 $0x10;
	s7 =	sand.u32 @!p2 $0x3FFF8, s6  }
0x3c7: {  	s5 =	sadd.s32 $0x1, s5;
	s6 =	sand.u32 @!p2 $0x7, s6;
	s7 =	sadd.s32 @!p2 s1, s7  }
0x3c8: {  	[hbm4b:s7+s6] =	stream.linear.scatter @!p2 [tilespmem:s4], [sflag:$0x7], $0x4, $0x38;
	[tilespmem:$0x1F0F8] =	vst v63  }
.LBB2_51:
0x3c9: {  	s0 =	sadd.s32 s3, s0  }
0x3ca: {  	s3 =	sshrl.u32 s0, $0x2  }
.LBB2_52:
0x3cb: {  	s0 =	simm.s32 $0x7  }
0x3cc: {  	_ =	swait.ge [sflag:s0], s3  }
0x3cd: {  	s1 =	ssub.s32 $0x0, s3;
	[sflag:s0] =	ssyncset.done $0x0  }
0x3ce: {  	[sflag:s0] =	ssyncadd.s32 s1  }
0x3cf: {  	[sflag:s0] =	ssyncpa.u1 $0x1  }
.LBB2_53:
0x3d0: {  	_ =	sfence;
	s0 =	simm.s32 $0x1  }
0x3d1: {  	[sflag:s0] =	ssyncpa.u1 $0x1  }
0x3d2: {  	_ =	strace $0x90000047  }
0x3d3: {  	[bflag:$0x2] =	sbarrier.arrive $0xFFFF  }
0x3d4: {  	s0 =	rddreg [dreg:$0x4]  }
0x3d5: {  	s0 =	sadd.s32 @!p0 $0x100000, s0  }
0x3d6: {  	[sflag:s0] =	ssyncadd.tile.s32 @!p0 $0x1;
	_ =	shalt  }
.Lfunc_end2:
_tile_overlayer_lowered:
.L_overlay_start_2:
0x3d7: {  	(tag) =	ssettag $0x2  }
0x3d8: {  	s0 =	rddreg [dreg:$0x0];
	s2 =	stileid.u32  }
0x3d9: {  	s1 =	rddreg [dreg:$0x1];
	p0 =	sne.s32 s2, $0x0  }
0x3da: {  	s3 =	rddreg [dreg:$0x2];
	[bflag:$0x3] =	sbarrier.arrive $0xFFFF;
	s2 =	simm.s32 @!p0 $0x1C01  }
0x3db: {  	[timem:s3], [sflag:s2] =	dma.local @!p0 [hbm:s0], s1  }
0x3dc: {  	s0 =	simm.s32 @!p0 $0x1  }
0x3dd: {  	_ =	swait.ge @!p0 [sflag:s0], s1  }
0x3de: {  	s1 =	ssub.s32 @!p0 $0x0, s1;
	[sflag:s0] =	ssyncset.done @!p0 $0x0  }
0x3df: {  	[sflag:s0] =	ssyncadd.s32 @!p0 s1  }
0x3e0: {  	[bflag:$0x3] =	sbarrier.arrive $0xFFFF  }
0x3e1: {  	_ =	shalt  }

</sc_bundles>
